<compile_context>
chip_gen: v7x
topology: tpu7x:2x2x1
jax: 0.10.2.dev20260603
libtpu: 0.0.44.dev20260713+nightly
codegen_flags: <defaults>
</compile_context>

<pallas_src>
import functools

import jax
import jax.numpy as jnp
from jax import lax
from jax.experimental import pallas as pl
from jax.experimental.pallas import tpu as pltpu
from jax.experimental.pallas import tpu_sc as plsc

N = 10000
C = 128
H = 128
T = 2
E = 320000

NC = 2
NS = 16
NP = 10240

_ROWS_PER_TILE = NP // NS
_ECHUNK = 128
_NCHUNKS = E // _ECHUNK

_mesh = plsc.VectorSubcoreMesh(core_axis_name="c", subcore_axis_name="s")


@functools.partial(
    pl.kernel,
    out_type=jax.ShapeDtypeStruct((NC * NP,), jnp.float32),
    mesh=_mesh,
    scratch_types=[
        pltpu.VMEM((_ECHUNK,), jnp.int32),
        pltpu.VMEM((_ECHUNK,), jnp.float32),
        pltpu.VMEM_SHARED((NP,), jnp.float32),
    ],
)
def _deg_kernel(col_hbm, ones_hbm, zeros_hbm, out_hbm, col_v, ones_v, deg_sh):
    c = lax.axis_index("c")
    s = lax.axis_index("s")
    wid = c * NS + s
    r0 = s * _ROWS_PER_TILE
    pltpu.sync_copy(zeros_hbm, deg_sh.at[pl.ds(r0, _ROWS_PER_TILE)])
    pltpu.sync_copy(ones_hbm, ones_v)
    plsc.subcore_barrier()

    nch = jnp.where(wid < _NCHUNKS % (NC * NS),
                    _NCHUNKS // (NC * NS) + 1, _NCHUNKS // (NC * NS))

    def body(k, carry):
        e0 = pl.multiple_of((wid + k * NC * NS) * _ECHUNK, _ECHUNK)
        pltpu.sync_copy(col_hbm.at[pl.ds(e0, _ECHUNK)], col_v)
        pltpu.sync_copy(ones_v, deg_sh.at[col_v], add=True)
        return carry

    lax.fori_loop(0, nch, body, 0)
    plsc.subcore_barrier()
    pltpu.sync_copy(deg_sh.at[pl.ds(r0, _ROWS_PER_TILE)],
                    out_hbm.at[pl.ds(c * NP + r0, _ROWS_PER_TILE)])


_BN_MM = 1280


def _mm_body(x_ref, w_ref, b_ref, degp_ref, hp0_ref, hp1_ref):
    dsum = degp_ref[0, :] + degp_ref[1, :] + 1.0
    dinv = lax.rsqrt(dsum)
    h = jnp.dot(x_ref[...], w_ref[...], preferred_element_type=jnp.float32)
    hp = (h + b_ref[...]) * dinv[:, None]
    hp0_ref[...] = hp[:, :H]
    hp1_ref[...] = hp[:, H:]


def _matmul(x, wcat, bcat, degp):
    return pl.pallas_call(
        _mm_body,
        grid=(NP // _BN_MM,),
        in_specs=[
            pl.BlockSpec((_BN_MM, C), lambda i: (i, 0)),
            pl.BlockSpec((C, 2 * H), lambda i: (0, 0)),
            pl.BlockSpec((1, 2 * H), lambda i: (0, 0)),
            pl.BlockSpec((NC, _BN_MM), lambda i: (0, i)),
        ],
        out_specs=[
            pl.BlockSpec((_BN_MM, H), lambda i: (i, 0)),
            pl.BlockSpec((_BN_MM, H), lambda i: (i, 0)),
        ],
        out_shape=[
            jax.ShapeDtypeStruct((N, H), jnp.float32),
            jax.ShapeDtypeStruct((N, H), jnp.float32),
        ],
    )(x, wcat, bcat, degp)


@functools.partial(
    pl.kernel,
    out_type=jax.ShapeDtypeStruct((NC * NP, H), jnp.float32),
    mesh=_mesh,
    scratch_types=[
        pltpu.VMEM((_ECHUNK,), jnp.int32),
        pltpu.VMEM((_ECHUNK,), jnp.int32),
        pltpu.VMEM((_ECHUNK, H), jnp.float32),
        pltpu.VMEM_SHARED((NP, H), jnp.float32),
        pltpu.SemaphoreType.DMA,
    ],
)
def _agg_kernel(row_hbm, col_hbm, hp0_hbm, hp1_hbm, zeros_hbm, out_hbm,
                row_v, col_v, rows_v, acc_sh, sem):
    c = lax.axis_index("c")
    s = lax.axis_index("s")
    r0 = s * _ROWS_PER_TILE
    pltpu.sync_copy(zeros_hbm, acc_sh.at[pl.ds(r0, _ROWS_PER_TILE)])
    plsc.subcore_barrier()

    nch = jnp.where(s < _NCHUNKS % NS, _NCHUNKS // NS + 1, _NCHUNKS // NS)

    def run(hp_hbm):
        def body(k, carry):
            e0 = pl.multiple_of((s + k * NS) * _ECHUNK, _ECHUNK)
            pltpu.sync_copy(row_hbm.at[pl.ds(e0, _ECHUNK)], row_v)
            pltpu.sync_copy(col_hbm.at[pl.ds(e0, _ECHUNK)], col_v)
            pltpu.async_copy(hp_hbm.at[row_v], rows_v, sem).wait()
            pltpu.sync_copy(rows_v, acc_sh.at[col_v], add=True)
            return carry
        lax.fori_loop(0, nch, body, 0)

    @pl.when(c == 0)
    def _():
        run(hp0_hbm)

    @pl.when(c == 1)
    def _():
        run(hp1_hbm)

    plsc.subcore_barrier()
    pltpu.sync_copy(acc_sh.at[pl.ds(r0, _ROWS_PER_TILE)],
                    out_hbm.at[pl.ds(c * NP + r0, _ROWS_PER_TILE)])


_BN_FIN = 512


def _fin_body(acc_ref, hp0_ref, hp1_ref, wmuI_ref, out_ref):
    rr = lax.broadcasted_iota(jnp.int32, (H, H), 0)
    cc = lax.broadcasted_iota(jnp.int32, (H, H), 1)
    eye = (rr == cc).astype(jnp.float32)
    outs = []
    for t in range(T):
        hp = hp0_ref[...] if t == 0 else hp1_ref[...]
        sacc = acc_ref[t] + hp
        nrm = jnp.sqrt(jnp.sum(sacc * sacc, axis=1, keepdims=True))
        zf = sacc / jnp.maximum(nrm, 1e-12)
        wt = wmuI_ref[t]
        css = jnp.sum(wt * wt, axis=0)
        wtt = lax.dot_general(wt, eye, (((0,), (0,)), ((), ())),
                              preferred_element_type=jnp.float32)
        zi = wtt * (0.8 / jnp.maximum(jnp.sqrt(css), 1e-12))[:, None]
        outs.append(jnp.concatenate([zf, zi], axis=-1))
    out_ref[...] = jnp.stack(outs, axis=0)


def _finalize(acc, hp0, hp1, wmuI):
    return pl.pallas_call(
        _fin_body,
        grid=(pl.cdiv(N, _BN_FIN),),
        in_specs=[
            pl.BlockSpec((T, _BN_FIN, H), lambda i: (0, i, 0)),
            pl.BlockSpec((_BN_FIN, H), lambda i: (i, 0)),
            pl.BlockSpec((_BN_FIN, H), lambda i: (i, 0)),
            pl.BlockSpec((T, H, _BN_FIN), lambda i: (0, 0, i)),
        ],
        out_specs=pl.BlockSpec((T, _BN_FIN, 2 * H), lambda i: (0, i, 0)),
        out_shape=jax.ShapeDtypeStruct((T, N, 2 * H), jnp.float32),
    )(acc, hp0, hp1, wmuI)


def kernel(x, edge_index, WmuF, bmuF, WlogF, blogF, WmuI, WlogI):
    row = edge_index[0]
    col = edge_index[1]
    wcat = jnp.concatenate([WmuF[0].T, WmuF[1].T], axis=1)
    bcat = jnp.concatenate([bmuF[0], bmuF[1]])[None, :]

    ones_e = jnp.ones((_ECHUNK,), jnp.float32)
    zeros_r = jnp.zeros((_ROWS_PER_TILE,), jnp.float32)
    zeros_rows = jnp.zeros((_ROWS_PER_TILE, H), jnp.float32)

    degp = _deg_kernel(col, ones_e, zeros_r).reshape(NC, NP)
    hp0, hp1 = _matmul(x, wcat, bcat, degp)
    acc = _agg_kernel(row, col, hp0, hp1, zeros_rows).reshape(NC, NP, H)
    return _finalize(acc, hp0, hp1, WmuI)

# --- scband reference (transcript-rebuilt; emitter-appended) ---
"""Pipeline reference for scband-two-lane-diffusion-54314156425801 (READ-ONLY COPY).

The authoritative reference and input builder live on the scoring server;
editing this copy changes nothing except your own understanding.
"""

import jax, jax.numpy as jnp
import numpy as np

N = 10000   # num_nodes
C = 128     # in_channels
H = 128     # hidden_channels
T = 2       # timesteps
E = 320000  # n_edges


def setup_inputs(seed: int = 0) -> dict:
    key = jax.random.key(seed)
    ks = jax.random.split(key, 8)
    x = jax.random.normal(ks[0], (N, C), dtype=jnp.float32)
    edge_index = jax.random.randint(ks[1], (2, E), 0, N, dtype=jnp.int32)
    # per-timestep Linear params (stacked over timesteps); xavier-ish scale
    s_feat = float(np.sqrt(2.0 / (C + H)))
    s_id = float(np.sqrt(2.0 / (N + H)))
    WmuF = jax.random.normal(ks[2], (T, H, C), dtype=jnp.float32) * s_feat
    bmuF = jnp.zeros((T, H), dtype=jnp.float32)
    WlogF = jax.random.normal(ks[3], (T, H, C), dtype=jnp.float32) * s_feat
    blogF = jnp.zeros((T, H), dtype=jnp.float32)
    WmuI = jax.random.normal(ks[4], (T, H, N), dtype=jnp.float32) * s_id
    WlogI = jax.random.normal(ks[5], (T, H, N), dtype=jnp.float32) * s_id
    return {"x": x, "edge_index": edge_index, "WmuF": WmuF, "bmuF": bmuF,
            "WlogF": WlogF, "blogF": blogF, "WmuI": WmuI, "WlogI": WlogI}


def _l2norm(v):
    # F.normalize(v, p=2, dim=1)
    n = jnp.linalg.norm(v, axis=1, keepdims=True)
    return v / jnp.maximum(n, 1e-12)


def _appnp_k1_a0(h, row, col):
    # APPNP(K=1, alpha=0.0) == one GCN-normalized propagation with self-loops
    sl = jnp.arange(N, dtype=row.dtype)
    r = jnp.concatenate([row, sl])
    c = jnp.concatenate([col, sl])
    ones = jnp.ones(r.shape[0], dtype=h.dtype)
    deg = jax.ops.segment_sum(ones, c, num_segments=N)
    dinv = jnp.where(deg > 0, 1.0 / jnp.sqrt(jnp.maximum(deg, 1e-12)), 0.0)
    norm = dinv[r] * dinv[c]
    msgs = norm[:, None] * jnp.take(h, r, axis=0)
    return jax.ops.segment_sum(msgs, c, num_segments=N)


def reference(x, edge_index, WmuF, bmuF, WlogF, blogF, WmuI, WlogI):
    # TwoLaneDiffusion.encode in eval mode, noise_type='none'.
    row, col = edge_index[0], edge_index[1]
    outs = []
    for t in range(T):
        # feature lane
        muF = _appnp_k1_a0(x @ WmuF[t].T + bmuF[t], row, col)
        logstdF = jnp.minimum(_appnp_k1_a0(x @ WlogF[t].T + blogF[t], row, col), 2.0)  # clamp(max=_LOGSTD_MAX); unused downstream in visible code
        zF = _l2norm(muF)
        # id lane: Linear(num_nodes->hidden, bias=False) applied to id_eye.
        # id_eye @ W.T == W.T exactly (identity matmul), so we use W.T directly
        # (mathematically identical to materializing torch.eye(num_nodes)).
        muI = _l2norm(WmuI[t].T) * 0.8
        logstdI = jnp.minimum(WlogI[t].T, 2.0)  # clamp(max=_LOGSTD_MAX)
        zI = muI  # _reparam with training=False returns mu
        outs.append(jnp.concatenate([zF, zI], axis=-1))
    return jnp.stack(outs, axis=0)  # [T, N, 2H]

if __name__ == "__main__":
    import jax
    _d = setup_inputs()
    print(jax.jit(kernel)(*tuple(_d.values())))

</pallas_src>

<mosaic_0001>
#map = affine_map<(d0, d1) -> (0)>
module attributes {stable_mosaic.version = 14 : i64} {
  func.func @_deg_kernel(%arg0: i32, %arg1: i32, %arg2: memref<320000xi32, #tpu.memory_space<hbm>>, %arg3: memref<128xf32, #tpu.memory_space<hbm>>, %arg4: memref<640xf32, #tpu.memory_space<hbm>>, %arg5: memref<20480xf32, #tpu.memory_space<hbm>>, %arg6: memref<128xi32, #tpu.memory_space<vmem>>, %arg7: memref<128xf32, #tpu.memory_space<vmem>>, %arg8: memref<10240xf32, #tpu.memory_space<vmem_shared>>) attributes {dimension_semantics = [#tpu.dimension_semantics<core_parallel>, #tpu.dimension_semantics<subcore_parallel>], iteration_bounds = array<i64: 2, 16>, scalar_prefetch = 0 : i64, scratch_operands = 3 : i64, tpu.core_type = #tpu.core_type<sc_vector_subcore>, window_params = [{transform_indices = #map}, {transform_indices = #map}, {transform_indices = #map}, {transform_indices = #map}]} {
    %mul3A = arith.constant 16 : i32
    %mul3A_0 = arith.muli %arg0, %mul3A : i32
    %add3A = arith.addi %mul3A_0, %arg1 : i32
    %mul3A_1 = arith.constant 640 : i32
    %mul3A_2 = arith.muli %arg1, %mul3A_1 : i32
    "tpu.region"() ({
      %run_scoped3A = tpu.sem_alloc : memref<!tpu.dma_semaphore, #tpu.memory_space<semaphore_mem>>
      %dma_start3A = tpu.memref_slice %arg8[%mul3A_2] : memref<10240xf32, #tpu.memory_space<vmem_shared>> -> memref<640xf32, #tpu.memory_space<vmem_shared>>
      tpu.enqueue_dma source(%arg4 : memref<640xf32, #tpu.memory_space<hbm>>) target(%dma_start3A : memref<640xf32, #tpu.memory_space<vmem_shared>>) target_semaphore(%run_scoped3A : memref<!tpu.dma_semaphore, #tpu.memory_space<semaphore_mem>>)
      %dma_wait3A = tpu.memref_slice %arg8[%mul3A_2] : memref<10240xf32, #tpu.memory_space<vmem_shared>> -> memref<640xf32, #tpu.memory_space<vmem_shared>>
      tpu.wait_dma2 semaphore(%run_scoped3A : memref<!tpu.dma_semaphore, #tpu.memory_space<semaphore_mem>>) src(%arg4 : memref<640xf32, #tpu.memory_space<hbm>>) dst(%dma_wait3A : memref<640xf32, #tpu.memory_space<vmem_shared>>)
      tpu.yield
    }) : () -> ()
    "tpu.region"() ({
      %run_scoped3A = tpu.sem_alloc : memref<!tpu.dma_semaphore, #tpu.memory_space<semaphore_mem>>
      tpu.enqueue_dma source(%arg3 : memref<128xf32, #tpu.memory_space<hbm>>) target(%arg7 : memref<128xf32, #tpu.memory_space<vmem>>) target_semaphore(%run_scoped3A : memref<!tpu.dma_semaphore, #tpu.memory_space<semaphore_mem>>)
      tpu.wait_dma2 semaphore(%run_scoped3A : memref<!tpu.dma_semaphore, #tpu.memory_space<semaphore_mem>>) src(%arg3 : memref<128xf32, #tpu.memory_space<hbm>>) dst(%arg7 : memref<128xf32, #tpu.memory_space<vmem>>)
      tpu.yield
    }) : () -> ()
    %barrier3A = arith.constant 0 : index
    tpu.barrier barrier_id(%barrier3A)
    %lt3A = arith.constant 4 : i32
    %lt3A_3 = arith.cmpi slt, %add3A, %lt3A : i32
    %jit3A = arith.constant 79 : i32
    %jit3A_4 = arith.constant 78 : i32
    %select_n3A = arith.select %lt3A_3, %jit3A, %jit3A_4 : i32
    %while3A = arith.constant 0 : i32
    %while3A_5 = arith.constant 0 : i32
    %while3A_6 = arith.subi %select_n3A, %while3A_5 : i32
    %while3A_7 = arith.addi %while3A_5, %while3A_6 : i32
    %while3A_8 = arith.constant 1 : i32
    %while3A_9 = arith.divsi %while3A_6, %while3A_8 : i32
    %while3A_10 = arith.muli %while3A_9, %while3A_8 : i32
    %while3A_11 = arith.addi %while3A_5, %while3A_10 : i32
    %while3A_12 = arith.constant 1 : i32
    scf.for %while3A_18 = %while3A_5 to %while3A_11 step %while3A_12  : i32 {
      %mul3A_19 = arith.constant 2 : i32
      %mul3A_20 = arith.muli %while3A_18, %mul3A_19 : i32
      %mul3A_21 = arith.constant 16 : i32
      %mul3A_22 = arith.muli %mul3A_20, %mul3A_21 : i32
      %add3A_23 = arith.addi %add3A, %mul3A_22 : i32
      %mul3A_24 = arith.constant 128 : i32
      %mul3A_25 = arith.muli %add3A_23, %mul3A_24 : i32
      %multiple_of3A = tpu.assume_multiple %mul3A_25, 128 : i32
      "tpu.region"() ({
        %run_scoped3A = tpu.sem_alloc : memref<!tpu.dma_semaphore, #tpu.memory_space<semaphore_mem>>
        %dma_start3A = tpu.memref_slice %arg2[%multiple_of3A] : memref<320000xi32, #tpu.memory_space<hbm>> -> memref<128xi32, #tpu.memory_space<hbm>>
        %dma_start3A_26 = tpu.memref_slice %arg2[%multiple_of3A] : memref<320000xi32, #tpu.memory_space<hbm>> -> memref<128xi32, #tpu.memory_space<hbm>>
        tpu.enqueue_dma source(%dma_start3A_26 : memref<128xi32, #tpu.memory_space<hbm>>) target(%arg6 : memref<128xi32, #tpu.memory_space<vmem>>) target_semaphore(%run_scoped3A : memref<!tpu.dma_semaphore, #tpu.memory_space<semaphore_mem>>)
        %dma_wait3A = tpu.memref_slice %arg2[%multiple_of3A] : memref<320000xi32, #tpu.memory_space<hbm>> -> memref<128xi32, #tpu.memory_space<hbm>>
        %dma_wait3A_27 = tpu.memref_slice %arg2[%multiple_of3A] : memref<320000xi32, #tpu.memory_space<hbm>> -> memref<128xi32, #tpu.memory_space<hbm>>
        tpu.wait_dma2 semaphore(%run_scoped3A : memref<!tpu.dma_semaphore, #tpu.memory_space<semaphore_mem>>) src(%dma_wait3A_27 : memref<128xi32, #tpu.memory_space<hbm>>) dst(%arg6 : memref<128xi32, #tpu.memory_space<vmem>>)
        tpu.yield
      }) : () -> ()
      "tpu.region"() ({
        %run_scoped3A = tpu.sem_alloc : memref<!tpu.dma_semaphore, #tpu.memory_space<semaphore_mem>>
        %dma_start3A = arith.constant 0 : i32
        %dma_start3A_26 = tpu.memref_slice %arg8[%dma_start3A] : memref<10240xf32, #tpu.memory_space<vmem_shared>> -> memref<10240xf32, #tpu.memory_space<vmem_shared>>
        tpu.enqueue_indirect_dma source(%arg7 : memref<128xf32, #tpu.memory_space<vmem>>) target(%dma_start3A_26 : memref<10240xf32, #tpu.memory_space<vmem_shared>>) offsets(%arg6 : memref<128xi32, #tpu.memory_space<vmem>>) semaphore(%run_scoped3A : memref<!tpu.dma_semaphore, #tpu.memory_space<semaphore_mem>>) {add = true}
        %dma_wait3A = arith.constant 0 : i32
        %dma_wait3A_27 = tpu.memref_slice %arg8[%dma_wait3A] : memref<10240xf32, #tpu.memory_space<vmem_shared>> -> memref<10240xf32, #tpu.memory_space<vmem_shared>>
        tpu.wait_indirect_dma semaphore(%run_scoped3A : memref<!tpu.dma_semaphore, #tpu.memory_space<semaphore_mem>>) src(%arg7 : memref<128xf32, #tpu.memory_space<vmem>>) dst(%dma_wait3A_27 : memref<10240xf32, #tpu.memory_space<vmem_shared>>)
        tpu.yield
      }) : () -> ()
    }
    %while3A_13 = arith.constant 1 : i32
    scf.for %while3A_18 = %while3A_11 to %while3A_7 step %while3A_13  : i32 {
      %mul3A_19 = arith.constant 2 : i32
      %mul3A_20 = arith.muli %while3A_18, %mul3A_19 : i32
      %mul3A_21 = arith.constant 16 : i32
      %mul3A_22 = arith.muli %mul3A_20, %mul3A_21 : i32
      %add3A_23 = arith.addi %add3A, %mul3A_22 : i32
      %mul3A_24 = arith.constant 128 : i32
      %mul3A_25 = arith.muli %add3A_23, %mul3A_24 : i32
      %multiple_of3A = tpu.assume_multiple %mul3A_25, 128 : i32
      "tpu.region"() ({
        %run_scoped3A = tpu.sem_alloc : memref<!tpu.dma_semaphore, #tpu.memory_space<semaphore_mem>>
        %dma_start3A = tpu.memref_slice %arg2[%multiple_of3A] : memref<320000xi32, #tpu.memory_space<hbm>> -> memref<128xi32, #tpu.memory_space<hbm>>
        %dma_start3A_26 = tpu.memref_slice %arg2[%multiple_of3A] : memref<320000xi32, #tpu.memory_space<hbm>> -> memref<128xi32, #tpu.memory_space<hbm>>
        tpu.enqueue_dma source(%dma_start3A_26 : memref<128xi32, #tpu.memory_space<hbm>>) target(%arg6 : memref<128xi32, #tpu.memory_space<vmem>>) target_semaphore(%run_scoped3A : memref<!tpu.dma_semaphore, #tpu.memory_space<semaphore_mem>>)
        %dma_wait3A = tpu.memref_slice %arg2[%multiple_of3A] : memref<320000xi32, #tpu.memory_space<hbm>> -> memref<128xi32, #tpu.memory_space<hbm>>
        %dma_wait3A_27 = tpu.memref_slice %arg2[%multiple_of3A] : memref<320000xi32, #tpu.memory_space<hbm>> -> memref<128xi32, #tpu.memory_space<hbm>>
        tpu.wait_dma2 semaphore(%run_scoped3A : memref<!tpu.dma_semaphore, #tpu.memory_space<semaphore_mem>>) src(%dma_wait3A_27 : memref<128xi32, #tpu.memory_space<hbm>>) dst(%arg6 : memref<128xi32, #tpu.memory_space<vmem>>)
        tpu.yield
      }) : () -> ()
      "tpu.region"() ({
        %run_scoped3A = tpu.sem_alloc : memref<!tpu.dma_semaphore, #tpu.memory_space<semaphore_mem>>
        %dma_start3A = arith.constant 0 : i32
        %dma_start3A_26 = tpu.memref_slice %arg8[%dma_start3A] : memref<10240xf32, #tpu.memory_space<vmem_shared>> -> memref<10240xf32, #tpu.memory_space<vmem_shared>>
        tpu.enqueue_indirect_dma source(%arg7 : memref<128xf32, #tpu.memory_space<vmem>>) target(%dma_start3A_26 : memref<10240xf32, #tpu.memory_space<vmem_shared>>) offsets(%arg6 : memref<128xi32, #tpu.memory_space<vmem>>) semaphore(%run_scoped3A : memref<!tpu.dma_semaphore, #tpu.memory_space<semaphore_mem>>) {add = true}
        %dma_wait3A = arith.constant 0 : i32
        %dma_wait3A_27 = tpu.memref_slice %arg8[%dma_wait3A] : memref<10240xf32, #tpu.memory_space<vmem_shared>> -> memref<10240xf32, #tpu.memory_space<vmem_shared>>
        tpu.wait_indirect_dma semaphore(%run_scoped3A : memref<!tpu.dma_semaphore, #tpu.memory_space<semaphore_mem>>) src(%arg7 : memref<128xf32, #tpu.memory_space<vmem>>) dst(%dma_wait3A_27 : memref<10240xf32, #tpu.memory_space<vmem_shared>>)
        tpu.yield
      }) : () -> ()
    }
    %barrier3A_14 = arith.constant 0 : index
    tpu.barrier barrier_id(%barrier3A_14)
    %mul3A_15 = arith.constant 10240 : i32
    %mul3A_16 = arith.muli %arg0, %mul3A_15 : i32
    %add3A_17 = arith.addi %mul3A_16, %mul3A_2 : i32
    "tpu.region"() ({
      %run_scoped3A = tpu.sem_alloc : memref<!tpu.dma_semaphore, #tpu.memory_space<semaphore_mem>>
      %dma_start3A = tpu.memref_slice %arg5[%add3A_17] : memref<20480xf32, #tpu.memory_space<hbm>> -> memref<640xf32, #tpu.memory_space<hbm>>
      %dma_start3A_18 = tpu.memref_slice %arg8[%mul3A_2] : memref<10240xf32, #tpu.memory_space<vmem_shared>> -> memref<640xf32, #tpu.memory_space<vmem_shared>>
      tpu.enqueue_dma source(%dma_start3A_18 : memref<640xf32, #tpu.memory_space<vmem_shared>>) target(%dma_start3A : memref<640xf32, #tpu.memory_space<hbm>>) target_semaphore(%run_scoped3A : memref<!tpu.dma_semaphore, #tpu.memory_space<semaphore_mem>>)
      %dma_wait3A = tpu.memref_slice %arg5[%add3A_17] : memref<20480xf32, #tpu.memory_space<hbm>> -> memref<640xf32, #tpu.memory_space<hbm>>
      %dma_wait3A_19 = tpu.memref_slice %arg8[%mul3A_2] : memref<10240xf32, #tpu.memory_space<vmem_shared>> -> memref<640xf32, #tpu.memory_space<vmem_shared>>
      tpu.wait_dma2 semaphore(%run_scoped3A : memref<!tpu.dma_semaphore, #tpu.memory_space<semaphore_mem>>) src(%dma_wait3A_19 : memref<640xf32, #tpu.memory_space<vmem_shared>>) dst(%dma_wait3A : memref<640xf32, #tpu.memory_space<hbm>>)
      tpu.yield
    }) : () -> ()
    return
  }
}

#map = affine_map<(d0, d1) -> (0)>
#map1 = affine_map<(d0, d1) -> (0, 0)>
module attributes {stable_mosaic.version = 14 : i64} {
  func.func @_agg_kernel(%arg0: i32, %arg1: i32, %arg2: memref<320000xi32, #tpu.memory_space<hbm>>, %arg3: memref<320000xi32, #tpu.memory_space<hbm>>, %arg4: memref<10000x128xf32, #tpu.memory_space<hbm>>, %arg5: memref<10000x128xf32, #tpu.memory_space<hbm>>, %arg6: memref<640x128xf32, #tpu.memory_space<hbm>>, %arg7: memref<20480x128xf32, #tpu.memory_space<hbm>>, %arg8: memref<128xi32, #tpu.memory_space<vmem>>, %arg9: memref<128xi32, #tpu.memory_space<vmem>>, %arg10: memref<128x128xf32, #tpu.memory_space<vmem>>, %arg11: memref<10240x128xf32, #tpu.memory_space<vmem_shared>>, %arg12: memref<!tpu.dma_semaphore, #tpu.memory_space<semaphore_mem>>) attributes {dimension_semantics = [#tpu.dimension_semantics<core_parallel>, #tpu.dimension_semantics<subcore_parallel>], iteration_bounds = array<i64: 2, 16>, scalar_prefetch = 0 : i64, scratch_operands = 5 : i64, tpu.core_type = #tpu.core_type<sc_vector_subcore>, window_params = [{transform_indices = #map}, {transform_indices = #map}, {transform_indices = #map1}, {transform_indices = #map1}, {transform_indices = #map1}, {transform_indices = #map1}]} {
    %mul3A = arith.constant 640 : i32
    %mul3A_0 = arith.muli %arg1, %mul3A : i32
    "tpu.region"() ({
      %run_scoped3A = tpu.sem_alloc : memref<!tpu.dma_semaphore, #tpu.memory_space<semaphore_mem>>
      %dma_start3A = arith.constant 0 : i32
      %dma_start3A_13 = tpu.memref_slice %arg11[%mul3A_0, %dma_start3A] : memref<10240x128xf32, #tpu.memory_space<vmem_shared>> -> memref<640x128xf32, #tpu.memory_space<vmem_shared>>
      tpu.enqueue_dma source(%arg6 : memref<640x128xf32, #tpu.memory_space<hbm>>) target(%dma_start3A_13 : memref<640x128xf32, #tpu.memory_space<vmem_shared>>) target_semaphore(%run_scoped3A : memref<!tpu.dma_semaphore, #tpu.memory_space<semaphore_mem>>)
      %dma_wait3A = arith.constant 0 : i32
      %dma_wait3A_14 = tpu.memref_slice %arg11[%mul3A_0, %dma_wait3A] : memref<10240x128xf32, #tpu.memory_space<vmem_shared>> -> memref<640x128xf32, #tpu.memory_space<vmem_shared>>
      tpu.wait_dma2 semaphore(%run_scoped3A : memref<!tpu.dma_semaphore, #tpu.memory_space<semaphore_mem>>) src(%arg6 : memref<640x128xf32, #tpu.memory_space<hbm>>) dst(%dma_wait3A_14 : memref<640x128xf32, #tpu.memory_space<vmem_shared>>)
      tpu.yield
    }) : () -> ()
    %barrier3A = arith.constant 0 : index
    tpu.barrier barrier_id(%barrier3A)
    %lt3A = arith.constant 4 : i32
    %lt3A_1 = arith.cmpi slt, %arg1, %lt3A : i32
    %jit3A = arith.constant 157 : i32
    %jit3A_2 = arith.constant 156 : i32
    %select_n3A = arith.select %lt3A_1, %jit3A, %jit3A_2 : i32
    %eq3A = arith.constant 0 : i32
    %eq3A_3 = arith.cmpi eq, %arg0, %eq3A : i32
    %convert_element_type3A = arith.extui %eq3A_3 : i1 to i32
    %cond3A = arith.constant 0 : i32
    %cond3A_4 = arith.cmpi ne, %convert_element_type3A, %cond3A : i32
    scf.if %cond3A_4 {
      %while3A = arith.constant 0 : i32
      %while3A_13 = arith.constant 0 : i32
      %while3A_14 = arith.subi %select_n3A, %while3A_13 : i32
      %while3A_15 = arith.addi %while3A_13, %while3A_14 : i32
      %while3A_16 = arith.constant 1 : i32
      %while3A_17 = arith.divsi %while3A_14, %while3A_16 : i32
      %while3A_18 = arith.muli %while3A_17, %while3A_16 : i32
      %while3A_19 = arith.addi %while3A_13, %while3A_18 : i32
      %while3A_20 = arith.constant 1 : i32
      scf.for %while3A_22 = %while3A_13 to %while3A_19 step %while3A_20  : i32 {
        %mul3A_23 = arith.constant 16 : i32
        %mul3A_24 = arith.muli %while3A_22, %mul3A_23 : i32
        %add3A_25 = arith.addi %arg1, %mul3A_24 : i32
        %mul3A_26 = arith.constant 128 : i32
        %mul3A_27 = arith.muli %add3A_25, %mul3A_26 : i32
        %multiple_of3A = tpu.assume_multiple %mul3A_27, 128 : i32
        "tpu.region"() ({
          %run_scoped3A = tpu.sem_alloc : memref<!tpu.dma_semaphore, #tpu.memory_space<semaphore_mem>>
          %dma_start3A_32 = tpu.memref_slice %arg2[%multiple_of3A] : memref<320000xi32, #tpu.memory_space<hbm>> -> memref<128xi32, #tpu.memory_space<hbm>>
          %dma_start3A_33 = tpu.memref_slice %arg2[%multiple_of3A] : memref<320000xi32, #tpu.memory_space<hbm>> -> memref<128xi32, #tpu.memory_space<hbm>>
          tpu.enqueue_dma source(%dma_start3A_33 : memref<128xi32, #tpu.memory_space<hbm>>) target(%arg8 : memref<128xi32, #tpu.memory_space<vmem>>) target_semaphore(%run_scoped3A : memref<!tpu.dma_semaphore, #tpu.memory_space<semaphore_mem>>)
          %dma_wait3A_34 = tpu.memref_slice %arg2[%multiple_of3A] : memref<320000xi32, #tpu.memory_space<hbm>> -> memref<128xi32, #tpu.memory_space<hbm>>
          %dma_wait3A_35 = tpu.memref_slice %arg2[%multiple_of3A] : memref<320000xi32, #tpu.memory_space<hbm>> -> memref<128xi32, #tpu.memory_space<hbm>>
          tpu.wait_dma2 semaphore(%run_scoped3A : memref<!tpu.dma_semaphore, #tpu.memory_space<semaphore_mem>>) src(%dma_wait3A_35 : memref<128xi32, #tpu.memory_space<hbm>>) dst(%arg8 : memref<128xi32, #tpu.memory_space<vmem>>)
          tpu.yield
        }) : () -> ()
        "tpu.region"() ({
          %run_scoped3A = tpu.sem_alloc : memref<!tpu.dma_semaphore, #tpu.memory_space<semaphore_mem>>
          %dma_start3A_32 = tpu.memref_slice %arg3[%multiple_of3A] : memref<320000xi32, #tpu.memory_space<hbm>> -> memref<128xi32, #tpu.memory_space<hbm>>
          %dma_start3A_33 = tpu.memref_slice %arg3[%multiple_of3A] : memref<320000xi32, #tpu.memory_space<hbm>> -> memref<128xi32, #tpu.memory_space<hbm>>
          tpu.enqueue_dma source(%dma_start3A_33 : memref<128xi32, #tpu.memory_space<hbm>>) target(%arg9 : memref<128xi32, #tpu.memory_space<vmem>>) target_semaphore(%run_scoped3A : memref<!tpu.dma_semaphore, #tpu.memory_space<semaphore_mem>>)
          %dma_wait3A_34 = tpu.memref_slice %arg3[%multiple_of3A] : memref<320000xi32, #tpu.memory_space<hbm>> -> memref<128xi32, #tpu.memory_space<hbm>>
          %dma_wait3A_35 = tpu.memref_slice %arg3[%multiple_of3A] : memref<320000xi32, #tpu.memory_space<hbm>> -> memref<128xi32, #tpu.memory_space<hbm>>
          tpu.wait_dma2 semaphore(%run_scoped3A : memref<!tpu.dma_semaphore, #tpu.memory_space<semaphore_mem>>) src(%dma_wait3A_35 : memref<128xi32, #tpu.memory_space<hbm>>) dst(%arg9 : memref<128xi32, #tpu.memory_space<vmem>>)
          tpu.yield
        }) : () -> ()
        %dma_start3A = arith.constant 0 : i32
        %dma_start3A_28 = arith.constant 0 : i32
        %dma_start3A_29 = tpu.memref_slice %arg4[%dma_start3A, %dma_start3A_28] : memref<10000x128xf32, #tpu.memory_space<hbm>> -> memref<10000x128xf32, #tpu.memory_space<hbm>>
        tpu.enqueue_indirect_dma source(%dma_start3A_29 : memref<10000x128xf32, #tpu.memory_space<hbm>>) target(%arg10 : memref<128x128xf32, #tpu.memory_space<vmem>>) offsets(%arg8 : memref<128xi32, #tpu.memory_space<vmem>>) semaphore(%arg12 : memref<!tpu.dma_semaphore, #tpu.memory_space<semaphore_mem>>)
        %dma_wait3A = arith.constant 0 : i32
        %dma_wait3A_30 = arith.constant 0 : i32
        %dma_wait3A_31 = tpu.memref_slice %arg4[%dma_wait3A, %dma_wait3A_30] : memref<10000x128xf32, #tpu.memory_space<hbm>> -> memref<10000x128xf32, #tpu.memory_space<hbm>>
        tpu.wait_indirect_dma semaphore(%arg12 : memref<!tpu.dma_semaphore, #tpu.memory_space<semaphore_mem>>) src(%dma_wait3A_31 : memref<10000x128xf32, #tpu.memory_space<hbm>>) dst(%arg10 : memref<128x128xf32, #tpu.memory_space<vmem>>)
        "tpu.region"() ({
          %run_scoped3A = tpu.sem_alloc : memref<!tpu.dma_semaphore, #tpu.memory_space<semaphore_mem>>
          %dma_start3A_32 = arith.constant 0 : i32
          %dma_start3A_33 = arith.constant 0 : i32
          %dma_start3A_34 = tpu.memref_slice %arg11[%dma_start3A_32, %dma_start3A_33] : memref<10240x128xf32, #tpu.memory_space<vmem_shared>> -> memref<10240x128xf32, #tpu.memory_space<vmem_shared>>
          tpu.enqueue_indirect_dma source(%arg10 : memref<128x128xf32, #tpu.memory_space<vmem>>) target(%dma_start3A_34 : memref<10240x128xf32, #tpu.memory_space<vmem_shared>>) offsets(%arg9 : memref<128xi32, #tpu.memory_space<vmem>>) semaphore(%run_scoped3A : memref<!tpu.dma_semaphore, #tpu.memory_space<semaphore_mem>>) {add = true}
          %dma_wait3A_35 = arith.constant 0 : i32
          %dma_wait3A_36 = arith.constant 0 : i32
          %dma_wait3A_37 = tpu.memref_slice %arg11[%dma_wait3A_35, %dma_wait3A_36] : memref<10240x128xf32, #tpu.memory_space<vmem_shared>> -> memref<10240x128xf32, #tpu.memory_space<vmem_shared>>
          tpu.wait_indirect_dma semaphore(%run_scoped3A : memref<!tpu.dma_semaphore, #tpu.memory_space<semaphore_mem>>) src(%arg10 : memref<128x128xf32, #tpu.memory_space<vmem>>) dst(%dma_wait3A_37 : memref<10240x128xf32, #tpu.memory_space<vmem_shared>>)
          tpu.yield
        }) : () -> ()
      }
      %while3A_21 = arith.constant 1 : i32
      scf.for %while3A_22 = %while3A_19 to %while3A_15 step %while3A_21  : i32 {
        %mul3A_23 = arith.constant 16 : i32
        %mul3A_24 = arith.muli %while3A_22, %mul3A_23 : i32
        %add3A_25 = arith.addi %arg1, %mul3A_24 : i32
        %mul3A_26 = arith.constant 128 : i32
        %mul3A_27 = arith.muli %add3A_25, %mul3A_26 : i32
        %multiple_of3A = tpu.assume_multiple %mul3A_27, 128 : i32
        "tpu.region"() ({
          %run_scoped3A = tpu.sem_alloc : memref<!tpu.dma_semaphore, #tpu.memory_space<semaphore_mem>>
          %dma_start3A_32 = tpu.memref_slice %arg2[%multiple_of3A] : memref<320000xi32, #tpu.memory_space<hbm>> -> memref<128xi32, #tpu.memory_space<hbm>>
          %dma_start3A_33 = tpu.memref_slice %arg2[%multiple_of3A] : memref<320000xi32, #tpu.memory_space<hbm>> -> memref<128xi32, #tpu.memory_space<hbm>>
          tpu.enqueue_dma source(%dma_start3A_33 : memref<128xi32, #tpu.memory_space<hbm>>) target(%arg8 : memref<128xi32, #tpu.memory_space<vmem>>) target_semaphore(%run_scoped3A : memref<!tpu.dma_semaphore, #tpu.memory_space<semaphore_mem>>)
          %dma_wait3A_34 = tpu.memref_slice %arg2[%multiple_of3A] : memref<320000xi32, #tpu.memory_space<hbm>> -> memref<128xi32, #tpu.memory_space<hbm>>
          %dma_wait3A_35 = tpu.memref_slice %arg2[%multiple_of3A] : memref<320000xi32, #tpu.memory_space<hbm>> -> memref<128xi32, #tpu.memory_space<hbm>>
          tpu.wait_dma2 semaphore(%run_scoped3A : memref<!tpu.dma_semaphore, #tpu.memory_space<semaphore_mem>>) src(%dma_wait3A_35 : memref<128xi32, #tpu.memory_space<hbm>>) dst(%arg8 : memref<128xi32, #tpu.memory_space<vmem>>)
          tpu.yield
        }) : () -> ()
        "tpu.region"() ({
          %run_scoped3A = tpu.sem_alloc : memref<!tpu.dma_semaphore, #tpu.memory_space<semaphore_mem>>
          %dma_start3A_32 = tpu.memref_slice %arg3[%multiple_of3A] : memref<320000xi32, #tpu.memory_space<hbm>> -> memref<128xi32, #tpu.memory_space<hbm>>
          %dma_start3A_33 = tpu.memref_slice %arg3[%multiple_of3A] : memref<320000xi32, #tpu.memory_space<hbm>> -> memref<128xi32, #tpu.memory_space<hbm>>
          tpu.enqueue_dma source(%dma_start3A_33 : memref<128xi32, #tpu.memory_space<hbm>>) target(%arg9 : memref<128xi32, #tpu.memory_space<vmem>>) target_semaphore(%run_scoped3A : memref<!tpu.dma_semaphore, #tpu.memory_space<semaphore_mem>>)
          %dma_wait3A_34 = tpu.memref_slice %arg3[%multiple_of3A] : memref<320000xi32, #tpu.memory_space<hbm>> -> memref<128xi32, #tpu.memory_space<hbm>>
          %dma_wait3A_35 = tpu.memref_slice %arg3[%multiple_of3A] : memref<320000xi32, #tpu.memory_space<hbm>> -> memref<128xi32, #tpu.memory_space<hbm>>
          tpu.wait_dma2 semaphore(%run_scoped3A : memref<!tpu.dma_semaphore, #tpu.memory_space<semaphore_mem>>) src(%dma_wait3A_35 : memref<128xi32, #tpu.memory_space<hbm>>) dst(%arg9 : memref<128xi32, #tpu.memory_space<vmem>>)
          tpu.yield
        }) : () -> ()
        %dma_start3A = arith.constant 0 : i32
        %dma_start3A_28 = arith.constant 0 : i32
        %dma_start3A_29 = tpu.memref_slice %arg4[%dma_start3A, %dma_start3A_28] : memref<10000x128xf32, #tpu.memory_space<hbm>> -> memref<10000x128xf32, #tpu.memory_space<hbm>>
        tpu.enqueue_indirect_dma source(%dma_start3A_29 : memref<10000x128xf32, #tpu.memory_space<hbm>>) target(%arg10 : memref<128x128xf32, #tpu.memory_space<vmem>>) offsets(%arg8 : memref<128xi32, #tpu.memory_space<vmem>>) semaphore(%arg12 : memref<!tpu.dma_semaphore, #tpu.memory_space<semaphore_mem>>)
        %dma_wait3A = arith.constant 0 : i32
        %dma_wait3A_30 = arith.constant 0 : i32
        %dma_wait3A_31 = tpu.memref_slice %arg4[%dma_wait3A, %dma_wait3A_30] : memref<10000x128xf32, #tpu.memory_space<hbm>> -> memref<10000x128xf32, #tpu.memory_space<hbm>>
        tpu.wait_indirect_dma semaphore(%arg12 : memref<!tpu.dma_semaphore, #tpu.memory_space<semaphore_mem>>) src(%dma_wait3A_31 : memref<10000x128xf32, #tpu.memory_space<hbm>>) dst(%arg10 : memref<128x128xf32, #tpu.memory_space<vmem>>)
        "tpu.region"() ({
          %run_scoped3A = tpu.sem_alloc : memref<!tpu.dma_semaphore, #tpu.memory_space<semaphore_mem>>
          %dma_start3A_32 = arith.constant 0 : i32
          %dma_start3A_33 = arith.constant 0 : i32
          %dma_start3A_34 = tpu.memref_slice %arg11[%dma_start3A_32, %dma_start3A_33] : memref<10240x128xf32, #tpu.memory_space<vmem_shared>> -> memref<10240x128xf32, #tpu.memory_space<vmem_shared>>
          tpu.enqueue_indirect_dma source(%arg10 : memref<128x128xf32, #tpu.memory_space<vmem>>) target(%dma_start3A_34 : memref<10240x128xf32, #tpu.memory_space<vmem_shared>>) offsets(%arg9 : memref<128xi32, #tpu.memory_space<vmem>>) semaphore(%run_scoped3A : memref<!tpu.dma_semaphore, #tpu.memory_space<semaphore_mem>>) {add = true}
          %dma_wait3A_35 = arith.constant 0 : i32
          %dma_wait3A_36 = arith.constant 0 : i32
          %dma_wait3A_37 = tpu.memref_slice %arg11[%dma_wait3A_35, %dma_wait3A_36] : memref<10240x128xf32, #tpu.memory_space<vmem_shared>> -> memref<10240x128xf32, #tpu.memory_space<vmem_shared>>
          tpu.wait_indirect_dma semaphore(%run_scoped3A : memref<!tpu.dma_semaphore, #tpu.memory_space<semaphore_mem>>) src(%arg10 : memref<128x128xf32, #tpu.memory_space<vmem>>) dst(%dma_wait3A_37 : memref<10240x128xf32, #tpu.memory_space<vmem_shared>>)
          tpu.yield
        }) : () -> ()
      }
    } else {
    }
    %eq3A_5 = arith.constant 1 : i32
    %eq3A_6 = arith.cmpi eq, %arg0, %eq3A_5 : i32
    %convert_element_type3A_7 = arith.extui %eq3A_6 : i1 to i32
    %cond3A_8 = arith.constant 0 : i32
    %cond3A_9 = arith.cmpi ne, %convert_element_type3A_7, %cond3A_8 : i32
    scf.if %cond3A_9 {
      %while3A = arith.constant 0 : i32
      %while3A_13 = arith.constant 0 : i32
      %while3A_14 = arith.subi %select_n3A, %while3A_13 : i32
      %while3A_15 = arith.addi %while3A_13, %while3A_14 : i32
      %while3A_16 = arith.constant 1 : i32
      %while3A_17 = arith.divsi %while3A_14, %while3A_16 : i32
      %while3A_18 = arith.muli %while3A_17, %while3A_16 : i32
      %while3A_19 = arith.addi %while3A_13, %while3A_18 : i32
      %while3A_20 = arith.constant 1 : i32
      scf.for %while3A_22 = %while3A_13 to %while3A_19 step %while3A_20  : i32 {
        %mul3A_23 = arith.constant 16 : i32
        %mul3A_24 = arith.muli %while3A_22, %mul3A_23 : i32
        %add3A_25 = arith.addi %arg1, %mul3A_24 : i32
        %mul3A_26 = arith.constant 128 : i32
        %mul3A_27 = arith.muli %add3A_25, %mul3A_26 : i32
        %multiple_of3A = tpu.assume_multiple %mul3A_27, 128 : i32
        "tpu.region"() ({
          %run_scoped3A = tpu.sem_alloc : memref<!tpu.dma_semaphore, #tpu.memory_space<semaphore_mem>>
          %dma_start3A_32 = tpu.memref_slice %arg2[%multiple_of3A] : memref<320000xi32, #tpu.memory_space<hbm>> -> memref<128xi32, #tpu.memory_space<hbm>>
          %dma_start3A_33 = tpu.memref_slice %arg2[%multiple_of3A] : memref<320000xi32, #tpu.memory_space<hbm>> -> memref<128xi32, #tpu.memory_space<hbm>>
          tpu.enqueue_dma source(%dma_start3A_33 : memref<128xi32, #tpu.memory_space<hbm>>) target(%arg8 : memref<128xi32, #tpu.memory_space<vmem>>) target_semaphore(%run_scoped3A : memref<!tpu.dma_semaphore, #tpu.memory_space<semaphore_mem>>)
          %dma_wait3A_34 = tpu.memref_slice %arg2[%multiple_of3A] : memref<320000xi32, #tpu.memory_space<hbm>> -> memref<128xi32, #tpu.memory_space<hbm>>
          %dma_wait3A_35 = tpu.memref_slice %arg2[%multiple_of3A] : memref<320000xi32, #tpu.memory_space<hbm>> -> memref<128xi32, #tpu.memory_space<hbm>>
          tpu.wait_dma2 semaphore(%run_scoped3A : memref<!tpu.dma_semaphore, #tpu.memory_space<semaphore_mem>>) src(%dma_wait3A_35 : memref<128xi32, #tpu.memory_space<hbm>>) dst(%arg8 : memref<128xi32, #tpu.memory_space<vmem>>)
          tpu.yield
        }) : () -> ()
        "tpu.region"() ({
          %run_scoped3A = tpu.sem_alloc : memref<!tpu.dma_semaphore, #tpu.memory_space<semaphore_mem>>
          %dma_start3A_32 = tpu.memref_slice %arg3[%multiple_of3A] : memref<320000xi32, #tpu.memory_space<hbm>> -> memref<128xi32, #tpu.memory_space<hbm>>
          %dma_start3A_33 = tpu.memref_slice %arg3[%multiple_of3A] : memref<320000xi32, #tpu.memory_space<hbm>> -> memref<128xi32, #tpu.memory_space<hbm>>
          tpu.enqueue_dma source(%dma_start3A_33 : memref<128xi32, #tpu.memory_space<hbm>>) target(%arg9 : memref<128xi32, #tpu.memory_space<vmem>>) target_semaphore(%run_scoped3A : memref<!tpu.dma_semaphore, #tpu.memory_space<semaphore_mem>>)
          %dma_wait3A_34 = tpu.memref_slice %arg3[%multiple_of3A] : memref<320000xi32, #tpu.memory_space<hbm>> -> memref<128xi32, #tpu.memory_space<hbm>>
          %dma_wait3A_35 = tpu.memref_slice %arg3[%multiple_of3A] : memref<320000xi32, #tpu.memory_space<hbm>> -> memref<128xi32, #tpu.memory_space<hbm>>
          tpu.wait_dma2 semaphore(%run_scoped3A : memref<!tpu.dma_semaphore, #tpu.memory_space<semaphore_mem>>) src(%dma_wait3A_35 : memref<128xi32, #tpu.memory_space<hbm>>) dst(%arg9 : memref<128xi32, #tpu.memory_space<vmem>>)
          tpu.yield
        }) : () -> ()
        %dma_start3A = arith.constant 0 : i32
        %dma_start3A_28 = arith.constant 0 : i32
        %dma_start3A_29 = tpu.memref_slice %arg5[%dma_start3A, %dma_start3A_28] : memref<10000x128xf32, #tpu.memory_space<hbm>> -> memref<10000x128xf32, #tpu.memory_space<hbm>>
        tpu.enqueue_indirect_dma source(%dma_start3A_29 : memref<10000x128xf32, #tpu.memory_space<hbm>>) target(%arg10 : memref<128x128xf32, #tpu.memory_space<vmem>>) offsets(%arg8 : memref<128xi32, #tpu.memory_space<vmem>>) semaphore(%arg12 : memref<!tpu.dma_semaphore, #tpu.memory_space<semaphore_mem>>)
        %dma_wait3A = arith.constant 0 : i32
        %dma_wait3A_30 = arith.constant 0 : i32
        %dma_wait3A_31 = tpu.memref_slice %arg5[%dma_wait3A, %dma_wait3A_30] : memref<10000x128xf32, #tpu.memory_space<hbm>> -> memref<10000x128xf32, #tpu.memory_space<hbm>>
        tpu.wait_indirect_dma semaphore(%arg12 : memref<!tpu.dma_semaphore, #tpu.memory_space<semaphore_mem>>) src(%dma_wait3A_31 : memref<10000x128xf32, #tpu.memory_space<hbm>>) dst(%arg10 : memref<128x128xf32, #tpu.memory_space<vmem>>)
        "tpu.region"() ({
          %run_scoped3A = tpu.sem_alloc : memref<!tpu.dma_semaphore, #tpu.memory_space<semaphore_mem>>
          %dma_start3A_32 = arith.constant 0 : i32
          %dma_start3A_33 = arith.constant 0 : i32
          %dma_start3A_34 = tpu.memref_slice %arg11[%dma_start3A_32, %dma_start3A_33] : memref<10240x128xf32, #tpu.memory_space<vmem_shared>> -> memref<10240x128xf32, #tpu.memory_space<vmem_shared>>
          tpu.enqueue_indirect_dma source(%arg10 : memref<128x128xf32, #tpu.memory_space<vmem>>) target(%dma_start3A_34 : memref<10240x128xf32, #tpu.memory_space<vmem_shared>>) offsets(%arg9 : memref<128xi32, #tpu.memory_space<vmem>>) semaphore(%run_scoped3A : memref<!tpu.dma_semaphore, #tpu.memory_space<semaphore_mem>>) {add = true}
          %dma_wait3A_35 = arith.constant 0 : i32
          %dma_wait3A_36 = arith.constant 0 : i32
          %dma_wait3A_37 = tpu.memref_slice %arg11[%dma_wait3A_35, %dma_wait3A_36] : memref<10240x128xf32, #tpu.memory_space<vmem_shared>> -> memref<10240x128xf32, #tpu.memory_space<vmem_shared>>
          tpu.wait_indirect_dma semaphore(%run_scoped3A : memref<!tpu.dma_semaphore, #tpu.memory_space<semaphore_mem>>) src(%arg10 : memref<128x128xf32, #tpu.memory_space<vmem>>) dst(%dma_wait3A_37 : memref<10240x128xf32, #tpu.memory_space<vmem_shared>>)
          tpu.yield
        }) : () -> ()
      }
      %while3A_21 = arith.constant 1 : i32
      scf.for %while3A_22 = %while3A_19 to %while3A_15 step %while3A_21  : i32 {
        %mul3A_23 = arith.constant 16 : i32
        %mul3A_24 = arith.muli %while3A_22, %mul3A_23 : i32
        %add3A_25 = arith.addi %arg1, %mul3A_24 : i32
        %mul3A_26 = arith.constant 128 : i32
        %mul3A_27 = arith.muli %add3A_25, %mul3A_26 : i32
        %multiple_of3A = tpu.assume_multiple %mul3A_27, 128 : i32
        "tpu.region"() ({
          %run_scoped3A = tpu.sem_alloc : memref<!tpu.dma_semaphore, #tpu.memory_space<semaphore_mem>>
          %dma_start3A_32 = tpu.memref_slice %arg2[%multiple_of3A] : memref<320000xi32, #tpu.memory_space<hbm>> -> memref<128xi32, #tpu.memory_space<hbm>>
          %dma_start3A_33 = tpu.memref_slice %arg2[%multiple_of3A] : memref<320000xi32, #tpu.memory_space<hbm>> -> memref<128xi32, #tpu.memory_space<hbm>>
          tpu.enqueue_dma source(%dma_start3A_33 : memref<128xi32, #tpu.memory_space<hbm>>) target(%arg8 : memref<128xi32, #tpu.memory_space<vmem>>) target_semaphore(%run_scoped3A : memref<!tpu.dma_semaphore, #tpu.memory_space<semaphore_mem>>)
          %dma_wait3A_34 = tpu.memref_slice %arg2[%multiple_of3A] : memref<320000xi32, #tpu.memory_space<hbm>> -> memref<128xi32, #tpu.memory_space<hbm>>
          %dma_wait3A_35 = tpu.memref_slice %arg2[%multiple_of3A] : memref<320000xi32, #tpu.memory_space<hbm>> -> memref<128xi32, #tpu.memory_space<hbm>>
          tpu.wait_dma2 semaphore(%run_scoped3A : memref<!tpu.dma_semaphore, #tpu.memory_space<semaphore_mem>>) src(%dma_wait3A_35 : memref<128xi32, #tpu.memory_space<hbm>>) dst(%arg8 : memref<128xi32, #tpu.memory_space<vmem>>)
          tpu.yield
        }) : () -> ()
        "tpu.region"() ({
          %run_scoped3A = tpu.sem_alloc : memref<!tpu.dma_semaphore, #tpu.memory_space<semaphore_mem>>
          %dma_start3A_32 = tpu.memref_slice %arg3[%multiple_of3A] : memref<320000xi32, #tpu.memory_space<hbm>> -> memref<128xi32, #tpu.memory_space<hbm>>
          %dma_start3A_33 = tpu.memref_slice %arg3[%multiple_of3A] : memref<320000xi32, #tpu.memory_space<hbm>> -> memref<128xi32, #tpu.memory_space<hbm>>
          tpu.enqueue_dma source(%dma_start3A_33 : memref<128xi32, #tpu.memory_space<hbm>>) target(%arg9 : memref<128xi32, #tpu.memory_space<vmem>>) target_semaphore(%run_scoped3A : memref<!tpu.dma_semaphore, #tpu.memory_space<semaphore_mem>>)
          %dma_wait3A_34 = tpu.memref_slice %arg3[%multiple_of3A] : memref<320000xi32, #tpu.memory_space<hbm>> -> memref<128xi32, #tpu.memory_space<hbm>>
          %dma_wait3A_35 = tpu.memref_slice %arg3[%multiple_of3A] : memref<320000xi32, #tpu.memory_space<hbm>> -> memref<128xi32, #tpu.memory_space<hbm>>
          tpu.wait_dma2 semaphore(%run_scoped3A : memref<!tpu.dma_semaphore, #tpu.memory_space<semaphore_mem>>) src(%dma_wait3A_35 : memref<128xi32, #tpu.memory_space<hbm>>) dst(%arg9 : memref<128xi32, #tpu.memory_space<vmem>>)
          tpu.yield
        }) : () -> ()
        %dma_start3A = arith.constant 0 : i32
        %dma_start3A_28 = arith.constant 0 : i32
        %dma_start3A_29 = tpu.memref_slice %arg5[%dma_start3A, %dma_start3A_28] : memref<10000x128xf32, #tpu.memory_space<hbm>> -> memref<10000x128xf32, #tpu.memory_space<hbm>>
        tpu.enqueue_indirect_dma source(%dma_start3A_29 : memref<10000x128xf32, #tpu.memory_space<hbm>>) target(%arg10 : memref<128x128xf32, #tpu.memory_space<vmem>>) offsets(%arg8 : memref<128xi32, #tpu.memory_space<vmem>>) semaphore(%arg12 : memref<!tpu.dma_semaphore, #tpu.memory_space<semaphore_mem>>)
        %dma_wait3A = arith.constant 0 : i32
        %dma_wait3A_30 = arith.constant 0 : i32
        %dma_wait3A_31 = tpu.memref_slice %arg5[%dma_wait3A, %dma_wait3A_30] : memref<10000x128xf32, #tpu.memory_space<hbm>> -> memref<10000x128xf32, #tpu.memory_space<hbm>>
        tpu.wait_indirect_dma semaphore(%arg12 : memref<!tpu.dma_semaphore, #tpu.memory_space<semaphore_mem>>) src(%dma_wait3A_31 : memref<10000x128xf32, #tpu.memory_space<hbm>>) dst(%arg10 : memref<128x128xf32, #tpu.memory_space<vmem>>)
        "tpu.region"() ({
          %run_scoped3A = tpu.sem_alloc : memref<!tpu.dma_semaphore, #tpu.memory_space<semaphore_mem>>
          %dma_start3A_32 = arith.constant 0 : i32
          %dma_start3A_33 = arith.constant 0 : i32
          %dma_start3A_34 = tpu.memref_slice %arg11[%dma_start3A_32, %dma_start3A_33] : memref<10240x128xf32, #tpu.memory_space<vmem_shared>> -> memref<10240x128xf32, #tpu.memory_space<vmem_shared>>
          tpu.enqueue_indirect_dma source(%arg10 : memref<128x128xf32, #tpu.memory_space<vmem>>) target(%dma_start3A_34 : memref<10240x128xf32, #tpu.memory_space<vmem_shared>>) offsets(%arg9 : memref<128xi32, #tpu.memory_space<vmem>>) semaphore(%run_scoped3A : memref<!tpu.dma_semaphore, #tpu.memory_space<semaphore_mem>>) {add = true}
          %dma_wait3A_35 = arith.constant 0 : i32
          %dma_wait3A_36 = arith.constant 0 : i32
          %dma_wait3A_37 = tpu.memref_slice %arg11[%dma_wait3A_35, %dma_wait3A_36] : memref<10240x128xf32, #tpu.memory_space<vmem_shared>> -> memref<10240x128xf32, #tpu.memory_space<vmem_shared>>
          tpu.wait_indirect_dma semaphore(%run_scoped3A : memref<!tpu.dma_semaphore, #tpu.memory_space<semaphore_mem>>) src(%arg10 : memref<128x128xf32, #tpu.memory_space<vmem>>) dst(%dma_wait3A_37 : memref<10240x128xf32, #tpu.memory_space<vmem_shared>>)
          tpu.yield
        }) : () -> ()
      }
    } else {
    }
    %barrier3A_10 = arith.constant 0 : index
    tpu.barrier barrier_id(%barrier3A_10)
    %mul3A_11 = arith.constant 10240 : i32
    %mul3A_12 = arith.muli %arg0, %mul3A_11 : i32
    %add3A = arith.addi %mul3A_12, %mul3A_0 : i32
    "tpu.region"() ({
      %run_scoped3A = tpu.sem_alloc : memref<!tpu.dma_semaphore, #tpu.memory_space<semaphore_mem>>
      %dma_start3A = arith.constant 0 : i32
      %dma_start3A_13 = tpu.memref_slice %arg7[%add3A, %dma_start3A] : memref<20480x128xf32, #tpu.memory_space<hbm>> -> memref<640x128xf32, #tpu.memory_space<hbm>>
      %dma_start3A_14 = arith.constant 0 : i32
      %dma_start3A_15 = tpu.memref_slice %arg11[%mul3A_0, %dma_start3A_14] : memref<10240x128xf32, #tpu.memory_space<vmem_shared>> -> memref<640x128xf32, #tpu.memory_space<vmem_shared>>
      tpu.enqueue_dma source(%dma_start3A_15 : memref<640x128xf32, #tpu.memory_space<vmem_shared>>) target(%dma_start3A_13 : memref<640x128xf32, #tpu.memory_space<hbm>>) target_semaphore(%run_scoped3A : memref<!tpu.dma_semaphore, #tpu.memory_space<semaphore_mem>>)
      %dma_wait3A = arith.constant 0 : i32
      %dma_wait3A_16 = tpu.memref_slice %arg7[%add3A, %dma_wait3A] : memref<20480x128xf32, #tpu.memory_space<hbm>> -> memref<640x128xf32, #tpu.memory_space<hbm>>
      %dma_wait3A_17 = arith.constant 0 : i32
      %dma_wait3A_18 = tpu.memref_slice %arg11[%mul3A_0, %dma_wait3A_17] : memref<10240x128xf32, #tpu.memory_space<vmem_shared>> -> memref<640x128xf32, #tpu.memory_space<vmem_shared>>
      tpu.wait_dma2 semaphore(%run_scoped3A : memref<!tpu.dma_semaphore, #tpu.memory_space<semaphore_mem>>) src(%dma_wait3A_18 : memref<640x128xf32, #tpu.memory_space<vmem_shared>>) dst(%dma_wait3A_16 : memref<640x128xf32, #tpu.memory_space<hbm>>)
      tpu.yield
    }) : () -> ()
    return
  }
}

module attributes {stable_mosaic.version = 14 : i64} {
  func.func @_mm_body(%arg0: i32, %arg1: memref<1280x128xf32, #tpu.memory_space<vmem>>, %arg2: memref<128x256xf32, #tpu.memory_space<vmem>>, %arg3: memref<1x256xf32, #tpu.memory_space<vmem>>, %arg4: memref<2x1280xf32, #tpu.memory_space<vmem>>, %arg5: memref<1280x128xf32, #tpu.memory_space<vmem>>, %arg6: memref<1280x128xf32, #tpu.memory_space<vmem>>) attributes {dimension_semantics = [#tpu.dimension_semantics<arbitrary>], iteration_bounds = array<i64: 8>, scalar_prefetch = 0 : i64, scratch_operands = 0 : i64, tpu.core_type = #tpu.core_type<tc>, window_params = [{transform_indices = @transform_0, window_bounds = array<i64: 1280, 128>}, {pipeline_mode = #tpu.pipeline_mode<synchronous>, transform_indices = @transform_1, window_bounds = array<i64: 128, 256>}, {pipeline_mode = #tpu.pipeline_mode<synchronous>, transform_indices = @transform_2, window_bounds = array<i64: 1, 256>}, {transform_indices = @transform_3, window_bounds = array<i64: 2, 1280>}, {transform_indices = @transform_4, window_bounds = array<i64: 1280, 128>}, {transform_indices = @transform_5, window_bounds = array<i64: 1280, 128>}]} {
    %get3A = arith.constant 0 : index
    %get3A_0 = arith.constant 0 : index
    %get3A_1 = vector.load %arg4[%get3A, %get3A_0] : memref<2x1280xf32, #tpu.memory_space<vmem>>, vector<1x1280xf32>
    %get3A_2 = vector.shape_cast %get3A_1 : vector<1x1280xf32> to vector<1280xf32>
    %get3A_3 = arith.constant 1 : index
    %get3A_4 = arith.constant 0 : index
    %get3A_5 = vector.load %arg4[%get3A_3, %get3A_4] : memref<2x1280xf32, #tpu.memory_space<vmem>>, vector<1x1280xf32>
    %get3A_6 = vector.shape_cast %get3A_5 : vector<1x1280xf32> to vector<1280xf32>
    %add3A = arith.addf %get3A_2, %get3A_6 : vector<1280xf32>
    %add3A_7 = arith.constant 1.000000e+00 : f32
    %add3A_8 = vector.broadcast %add3A_7 : f32 to vector<1280xf32>
    %add3A_9 = arith.addf %add3A, %add3A_8 : vector<1280xf32>
    %rsqrt3A = math.rsqrt %add3A_9 : vector<1280xf32>
    %get3A_10 = arith.constant 0 : index
    %get3A_11 = arith.constant 0 : index
    %get3A_12 = vector.load %arg1[%get3A_10, %get3A_11] : memref<1280x128xf32, #tpu.memory_space<vmem>>, vector<1280x128xf32>
    %get3A_13 = arith.constant 0 : index
    %get3A_14 = arith.constant 0 : index
    %get3A_15 = vector.load %arg2[%get3A_13, %get3A_14] : memref<128x256xf32, #tpu.memory_space<vmem>>, vector<128x256xf32>
    %dot_general3A = arith.constant dense<0.000000e+00> : vector<1280x256xf32>
    %dot_general3A_16 = tpu.matmul %get3A_12, %get3A_15, %dot_general3A {dimension_numbers = #tpu.dot_dimension_numbers<[1], [0], [0], [1], [0, 0, 1, 1], [], []>, transpose_lhs_hint = false} : vector<1280x128xf32>, vector<128x256xf32>, vector<1280x256xf32> -> vector<1280x256xf32>
    %get3A_17 = arith.constant 0 : index
    %get3A_18 = arith.constant 0 : index
    %get3A_19 = vector.load %arg3[%get3A_17, %get3A_18] : memref<1x256xf32, #tpu.memory_space<vmem>>, vector<1x256xf32>
    %add3A_20 = vector.broadcast %get3A_19 : vector<1x256xf32> to vector<1280x256xf32>
    %add3A_21 = arith.addf %dot_general3A_16, %add3A_20 : vector<1280x256xf32>
    %broadcast_in_dim3A = vector.shape_cast %rsqrt3A : vector<1280xf32> to vector<1280x1xf32>
    %mul3A = vector.broadcast %broadcast_in_dim3A : vector<1280x1xf32> to vector<1280x256xf32>
    %mul3A_22 = arith.mulf %add3A_21, %mul3A : vector<1280x256xf32>
    %slice3A = vector.extract_strided_slice %mul3A_22 {offsets = [0, 0], sizes = [1280, 128], strides = [1, 1]} : vector<1280x256xf32> to vector<1280x128xf32>
    %swap3A = arith.constant 0 : index
    %swap3A_23 = arith.constant 0 : index
    %swap3A_24 = vector.load %arg5[%swap3A, %swap3A_23] : memref<1280x128xf32, #tpu.memory_space<vmem>>, vector<1280x128xf32>
    tpu.vector_store %arg5[%swap3A, %swap3A_23], %slice3A {strides = array<i32>} : memref<1280x128xf32, #tpu.memory_space<vmem>>, vector<1280x128xf32>,
    %slice3A_25 = vector.extract_strided_slice %mul3A_22 {offsets = [0, 128], sizes = [1280, 128], strides = [1, 1]} : vector<1280x256xf32> to vector<1280x128xf32>
    %swap3A_26 = arith.constant 0 : index
    %swap3A_27 = arith.constant 0 : index
    %swap3A_28 = vector.load %arg6[%swap3A_26, %swap3A_27] : memref<1280x128xf32, #tpu.memory_space<vmem>>, vector<1280x128xf32>
    tpu.vector_store %arg6[%swap3A_26, %swap3A_27], %slice3A_25 {strides = array<i32>} : memref<1280x128xf32, #tpu.memory_space<vmem>>, vector<1280x128xf32>,
    return
  }
  func.func @transform_0(%arg0: i32) -> (i32, i32) {
    %c0_i32 = arith.constant 0 : i32
    %c0_i32_0 = arith.constant 0 : i32
    return %arg0, %c0_i32 : i32, i32
  }
  func.func @transform_1(%arg0: i32) -> (i32, i32) {
    %c0_i32 = arith.constant 0 : i32
    %c0_i32_0 = arith.constant 0 : i32
    %c0_i32_1 = arith.constant 0 : i32
    return %c0_i32, %c0_i32_0 : i32, i32
  }
  func.func @transform_2(%arg0: i32) -> (i32, i32) {
    %c0_i32 = arith.constant 0 : i32
    %c0_i32_0 = arith.constant 0 : i32
    %c0_i32_1 = arith.constant 0 : i32
    return %c0_i32, %c0_i32_0 : i32, i32
  }
  func.func @transform_3(%arg0: i32) -> (i32, i32) {
    %c0_i32 = arith.constant 0 : i32
    %c0_i32_0 = arith.constant 0 : i32
    return %c0_i32, %arg0 : i32, i32
  }
  func.func @transform_4(%arg0: i32) -> (i32, i32) {
    %c0_i32 = arith.constant 0 : i32
    %c0_i32_0 = arith.constant 0 : i32
    return %arg0, %c0_i32 : i32, i32
  }
  func.func @transform_5(%arg0: i32) -> (i32, i32) {
    %c0_i32 = arith.constant 0 : i32
    %c0_i32_0 = arith.constant 0 : i32
    return %arg0, %c0_i32 : i32, i32
  }
}

module attributes {stable_mosaic.version = 14 : i64} {
  func.func @_fin_body(%arg0: i32, %arg1: memref<2x512x128xf32, #tpu.memory_space<vmem>>, %arg2: memref<512x128xf32, #tpu.memory_space<vmem>>, %arg3: memref<512x128xf32, #tpu.memory_space<vmem>>, %arg4: memref<2x128x512xf32, #tpu.memory_space<vmem>>, %arg5: memref<2x512x256xf32, #tpu.memory_space<vmem>>) attributes {dimension_semantics = [#tpu.dimension_semantics<arbitrary>], iteration_bounds = array<i64: 20>, scalar_prefetch = 0 : i64, scratch_operands = 0 : i64, tpu.core_type = #tpu.core_type<tc>, window_params = [{transform_indices = @transform_0, window_bounds = array<i64: 2, 512, 128>}, {transform_indices = @transform_1, window_bounds = array<i64: 512, 128>}, {transform_indices = @transform_2, window_bounds = array<i64: 512, 128>}, {transform_indices = @transform_3, window_bounds = array<i64: 2, 128, 512>}, {transform_indices = @transform_4, window_bounds = array<i64: 2, 512, 256>}]} {
    %iota3A = tpu.iota {dimensions = array<i32: 0>} : vector<128x128xi32>
    %iota3A_0 = tpu.iota {dimensions = array<i32: 1>} : vector<128x128xi32>
    %eq3A = arith.cmpi eq, %iota3A, %iota3A_0 : vector<128x128xi32>
    %convert_element_type3A = arith.extui %eq3A : vector<128x128xi1> to vector<128x128xi32>
    %convert_element_type3A_1 = arith.sitofp %convert_element_type3A : vector<128x128xi32> to vector<128x128xf32>
    %get3A = arith.constant 0 : index
    %get3A_2 = arith.constant 0 : index
    %get3A_3 = vector.load %arg2[%get3A, %get3A_2] : memref<512x128xf32, #tpu.memory_space<vmem>>, vector<512x128xf32>
    %get3A_4 = arith.constant 0 : index
    %get3A_5 = arith.constant 0 : index
    %get3A_6 = arith.constant 0 : index
    %get3A_7 = vector.load %arg1[%get3A_4, %get3A_5, %get3A_6] : memref<2x512x128xf32, #tpu.memory_space<vmem>>, vector<1x512x128xf32>
    %get3A_8 = vector.shape_cast %get3A_7 : vector<1x512x128xf32> to vector<512x128xf32>
    %add3A = arith.addf %get3A_8, %get3A_3 : vector<512x128xf32>
    %mul3A = arith.mulf %add3A, %add3A : vector<512x128xf32>
    %reduce_sum3A = arith.constant dense<0.000000e+00> : vector<512xf32>
    %reduce_sum3A_9 = vector.multi_reduction <add>, %mul3A, %reduce_sum3A [1] : vector<512x128xf32> to vector<512xf32>
    %broadcast_in_dim3A = vector.shape_cast %reduce_sum3A_9 : vector<512xf32> to vector<512x1xf32>
    %sqrt3A = math.sqrt %broadcast_in_dim3A : vector<512x1xf32>
    %max3A = arith.constant 9.99999996E-13 : f32
    %max3A_10 = vector.broadcast %max3A : f32 to vector<512x1xf32>
    %max3A_11 = arith.maximumf %sqrt3A, %max3A_10 : vector<512x1xf32>
    %div3A = vector.broadcast %max3A_11 : vector<512x1xf32> to vector<512x128xf32>
    %div3A_12 = arith.divf %add3A, %div3A : vector<512x128xf32>
    %get3A_13 = arith.constant 0 : index
    %get3A_14 = arith.constant 0 : index
    %get3A_15 = arith.constant 0 : index
    %get3A_16 = vector.load %arg4[%get3A_13, %get3A_14, %get3A_15] : memref<2x128x512xf32, #tpu.memory_space<vmem>>, vector<1x128x512xf32>
    %get3A_17 = vector.shape_cast %get3A_16 : vector<1x128x512xf32> to vector<128x512xf32>
    %mul3A_18 = arith.mulf %get3A_17, %get3A_17 : vector<128x512xf32>
    %reduce_sum3A_19 = arith.constant dense<0.000000e+00> : vector<512xf32>
    %reduce_sum3A_20 = vector.multi_reduction <add>, %mul3A_18, %reduce_sum3A_19 [0] : vector<128x512xf32> to vector<512xf32>
    %dot_general3A = arith.constant dense<0.000000e+00> : vector<512x128xf32>
    %dot_general3A_21 = tpu.matmul %get3A_17, %convert_element_type3A_1, %dot_general3A {dimension_numbers = #tpu.dot_dimension_numbers<[0], [0], [1], [1], [0, 1, 1, 1], [], []>, transpose_lhs_hint = false} : vector<128x512xf32>, vector<128x128xf32>, vector<512x128xf32> -> vector<512x128xf32>
    %sqrt3A_22 = math.sqrt %reduce_sum3A_20 : vector<512xf32>
    %max3A_23 = arith.constant 9.99999996E-13 : f32
    %max3A_24 = vector.broadcast %max3A_23 : f32 to vector<512xf32>
    %max3A_25 = arith.maximumf %sqrt3A_22, %max3A_24 : vector<512xf32>
    %div3A_26 = arith.constant 8.000000e-01 : f32
    %div3A_27 = vector.broadcast %div3A_26 : f32 to vector<512xf32>
    %div3A_28 = arith.divf %div3A_27, %max3A_25 : vector<512xf32>
    %broadcast_in_dim3A_29 = vector.shape_cast %div3A_28 : vector<512xf32> to vector<512x1xf32>
    %mul3A_30 = vector.broadcast %broadcast_in_dim3A_29 : vector<512x1xf32> to vector<512x128xf32>
    %mul3A_31 = arith.mulf %dot_general3A_21, %mul3A_30 : vector<512x128xf32>
    %concatenate3A = tpu.concatenate %div3A_12, %mul3A_31 in 1 : vector<512x128xf32>, vector<512x128xf32> -> vector<512x256xf32>
    %get3A_32 = arith.constant 0 : index
    %get3A_33 = arith.constant 0 : index
    %get3A_34 = vector.load %arg3[%get3A_32, %get3A_33] : memref<512x128xf32, #tpu.memory_space<vmem>>, vector<512x128xf32>
    %get3A_35 = arith.constant 1 : index
    %get3A_36 = arith.constant 0 : index
    %get3A_37 = arith.constant 0 : index
    %get3A_38 = vector.load %arg1[%get3A_35, %get3A_36, %get3A_37] : memref<2x512x128xf32, #tpu.memory_space<vmem>>, vector<1x512x128xf32>
    %get3A_39 = vector.shape_cast %get3A_38 : vector<1x512x128xf32> to vector<512x128xf32>
    %add3A_40 = arith.addf %get3A_39, %get3A_34 : vector<512x128xf32>
    %mul3A_41 = arith.mulf %add3A_40, %add3A_40 : vector<512x128xf32>
    %reduce_sum3A_42 = arith.constant dense<0.000000e+00> : vector<512xf32>
    %reduce_sum3A_43 = vector.multi_reduction <add>, %mul3A_41, %reduce_sum3A_42 [1] : vector<512x128xf32> to vector<512xf32>
    %broadcast_in_dim3A_44 = vector.shape_cast %reduce_sum3A_43 : vector<512xf32> to vector<512x1xf32>
    %sqrt3A_45 = math.sqrt %broadcast_in_dim3A_44 : vector<512x1xf32>
    %max3A_46 = arith.constant 9.99999996E-13 : f32
    %max3A_47 = vector.broadcast %max3A_46 : f32 to vector<512x1xf32>
    %max3A_48 = arith.maximumf %sqrt3A_45, %max3A_47 : vector<512x1xf32>
    %div3A_49 = vector.broadcast %max3A_48 : vector<512x1xf32> to vector<512x128xf32>
    %div3A_50 = arith.divf %add3A_40, %div3A_49 : vector<512x128xf32>
    %get3A_51 = arith.constant 1 : index
    %get3A_52 = arith.constant 0 : index
    %get3A_53 = arith.constant 0 : index
    %get3A_54 = vector.load %arg4[%get3A_51, %get3A_52, %get3A_53] : memref<2x128x512xf32, #tpu.memory_space<vmem>>, vector<1x128x512xf32>
    %get3A_55 = vector.shape_cast %get3A_54 : vector<1x128x512xf32> to vector<128x512xf32>
    %mul3A_56 = arith.mulf %get3A_55, %get3A_55 : vector<128x512xf32>
    %reduce_sum3A_57 = arith.constant dense<0.000000e+00> : vector<512xf32>
    %reduce_sum3A_58 = vector.multi_reduction <add>, %mul3A_56, %reduce_sum3A_57 [0] : vector<128x512xf32> to vector<512xf32>
    %dot_general3A_59 = arith.constant dense<0.000000e+00> : vector<512x128xf32>
    %dot_general3A_60 = tpu.matmul %get3A_55, %convert_element_type3A_1, %dot_general3A_59 {dimension_numbers = #tpu.dot_dimension_numbers<[0], [0], [1], [1], [0, 1, 1, 1], [], []>, transpose_lhs_hint = false} : vector<128x512xf32>, vector<128x128xf32>, vector<512x128xf32> -> vector<512x128xf32>
    %sqrt3A_61 = math.sqrt %reduce_sum3A_58 : vector<512xf32>
    %max3A_62 = arith.constant 9.99999996E-13 : f32
    %max3A_63 = vector.broadcast %max3A_62 : f32 to vector<512xf32>
    %max3A_64 = arith.maximumf %sqrt3A_61, %max3A_63 : vector<512xf32>
    %div3A_65 = arith.constant 8.000000e-01 : f32
    %div3A_66 = vector.broadcast %div3A_65 : f32 to vector<512xf32>
    %div3A_67 = arith.divf %div3A_66, %max3A_64 : vector<512xf32>
    %broadcast_in_dim3A_68 = vector.shape_cast %div3A_67 : vector<512xf32> to vector<512x1xf32>
    %mul3A_69 = vector.broadcast %broadcast_in_dim3A_68 : vector<512x1xf32> to vector<512x128xf32>
    %mul3A_70 = arith.mulf %dot_general3A_60, %mul3A_69 : vector<512x128xf32>
    %concatenate3A_71 = tpu.concatenate %div3A_50, %mul3A_70 in 1 : vector<512x128xf32>, vector<512x128xf32> -> vector<512x256xf32>
    %stack3A = vector.shape_cast %concatenate3A : vector<512x256xf32> to vector<1x512x256xf32>
    %stack3A_72 = vector.shape_cast %concatenate3A_71 : vector<512x256xf32> to vector<1x512x256xf32>
    %stack3A_73 = tpu.concatenate %stack3A, %stack3A_72 in 0 : vector<1x512x256xf32>, vector<1x512x256xf32> -> vector<2x512x256xf32>
    %swap3A = arith.constant 0 : index
    %swap3A_74 = arith.constant 0 : index
    %swap3A_75 = arith.constant 0 : index
    %swap3A_76 = vector.load %arg5[%swap3A, %swap3A_74, %swap3A_75] : memref<2x512x256xf32, #tpu.memory_space<vmem>>, vector<2x512x256xf32>
    tpu.vector_store %arg5[%swap3A, %swap3A_74, %swap3A_75], %stack3A_73 {strides = array<i32>} : memref<2x512x256xf32, #tpu.memory_space<vmem>>, vector<2x512x256xf32>,
    return
  }
  func.func @transform_0(%arg0: i32) -> (i32, i32, i32) {
    %c0_i32 = arith.constant 0 : i32
    %c0_i32_0 = arith.constant 0 : i32
    %c0_i32_1 = arith.constant 0 : i32
    return %c0_i32, %arg0, %c0_i32_0 : i32, i32, i32
  }
  func.func @transform_1(%arg0: i32) -> (i32, i32) {
    %c0_i32 = arith.constant 0 : i32
    %c0_i32_0 = arith.constant 0 : i32
    return %arg0, %c0_i32 : i32, i32
  }
  func.func @transform_2(%arg0: i32) -> (i32, i32) {
    %c0_i32 = arith.constant 0 : i32
    %c0_i32_0 = arith.constant 0 : i32
    return %arg0, %c0_i32 : i32, i32
  }
  func.func @transform_3(%arg0: i32) -> (i32, i32, i32) {
    %c0_i32 = arith.constant 0 : i32
    %c0_i32_0 = arith.constant 0 : i32
    %c0_i32_1 = arith.constant 0 : i32
    return %c0_i32, %c0_i32_0, %arg0 : i32, i32, i32
  }
  func.func @transform_4(%arg0: i32) -> (i32, i32, i32) {
    %c0_i32 = arith.constant 0 : i32
    %c0_i32_0 = arith.constant 0 : i32
    %c0_i32_1 = arith.constant 0 : i32
    return %c0_i32, %arg0, %c0_i32_0 : i32, i32, i32
  }
}

</mosaic_0001>

<sc_bundles>
// kernel: kernel.6.cloned.1.call-start
scs
__scs_entry_jumppad:
0x0: {  	(pc) =	sbr.rel $0x88, $3  }
0x1: {  	(tag) =	ssettag $0x0;
	lr =	simm.s32 $0x1  }
0x2: {  	[smem:$0x3F9C] =	sst lr;
	_ =	strace $0xD0000000  }
0x3: {  	_ = 	snop  }
0x4: {  	_ = 	snop  }
0x5: {  	_ = 	snop  }
0x6: {  	_ = 	snop  }
0x7: {  	_ = 	snop  }
__scs_overlays_trampoline_lowered:
0x8: {  	[smem:$0x3FAB] =	sst s0  }
0x9: {  	[smem:$0x3FAC] =	sst s1  }
0xa: {  	[smem:$0x3FAD] =	sst s2  }
0xb: {  	[smem:$0x3FAE] =	sst s3  }
0xc: {  	[smem:$0x3FAF] =	sst s4  }
0xd: {  	[smem:$0x3FB0] =	sst s5  }
0xe: {  	[smem:$0x3FB1] =	sst s6  }
0xf: {  	[smem:$0x3FB2] =	sst s7  }
0x10: {  	[smem:$0x3FB3] =	sst s8  }
0x11: {  	[smem:$0x3FB4] =	sst s9;
	s0 =	simm.s32 @!p0 $0x0  }
0x12: {  	s1 =	sld [smem:$0x3F9A];
	s0 =	simm.s32 @p0 $0x1  }
0x13: {  	[smem:$0x3FB5] =	sst s0;
	s0 =	simm.s32 @!p1 $0x0  }
0x14: {  	s2 =	sld [smem:$0x3F99];
	s0 =	simm.s32 @p1 $0x1  }
0x15: {  	[smem:$0x3FB6] =	sst s0;
	s0 =	simm.s32 @!p2 $0x0  }
0x16: {  	s3 =	sld [smem:$0x3FDB];
	s0 =	simm.s32 @p2 $0x1  }
0x17: {  	s4 =	simm.s32 $0x1BF5;
	[smem:$0x3FB8] =	sst s0  }
0x18: {  	s0 =	sld [smem:$0x3F9B];
	_ =	swait.ge [sflag:s4], $0x0  }
0x19: {  	s7 =	sld [smem:$0x3F9C]  }
0x1a: {  	s8 =	sadd.s32 $0xFFFFE003, lr  }
0x1b: {  	s9 =	sadd.s32 $0xFFFFFEF7, lr;
	s5 =	simm.s32 $0xFFFFFFFF;
	p2 =	slt.u32 s8, $0xFFFFF086  }
0x1c: {  	p1 =	slt.u32 s9, $0xF7A;
	s5 =	simm.s32 @!p2 $0x0  }
0x1d: {  	s5 =	simm.s32 @p1 $0x1;
	p0 =	seq.s32 s7, s2  }
0x1e: {  	s7 =	smul.u32 @!p0 $0xF7A, s2;
	p2 =	seq.s32 @!p0 s5, $0x0  }
0x1f: {  	s9 =	smul.u32 $0xF7A, s1;
	s8 =	simm.s32 @!p0 $0x1BF5;
	p2 =	por !p2, p0  }
0x20: {  	[sflag:s8] =	ssyncset.s32 @!p0 $0xFFFFF086;
	s6 =	sadd.s32 @!p0 s3, s7;
	s7 =	simm.s32 @!p0 $0x108  }
0x21: {  	s3 =	sadd.s32 s3, s9;
	s6 =	sadd.s32 @!p0 $0x88, s6;
	s7 =	simm.s32 @p2 $0x1082  }
0x22: {  	[simem:s7], [sflag:s8] =	dma.local @!p0 [hbm:s6], $0xF7A  }
0x23: {  	s9 =	sor.u32 $0xD0000000, s2;
	s6 =	simm.s32 $0x108;
	_ =	swait.ge @!p0 [sflag:s8], $0x0  }
0x24: {  	s3 =	sadd.s32 $0x88, s3;
	s6 =	simm.s32 @!p1 $0x1082;
	[sflag:s4] =	ssyncset.s32 $0xFFFFF086  }
0x25: {  	[simem:s6], [sflag:s4] =	dma.local [hbm:s3], $0xF7A  }
0x26: {  	[smem:$0x3F9C] =	sst s1;
	(tag) =	ssettag s2;
	_ =	strace s9  }
0x27: {  	s1 =	sld [smem:$0x3FAC]  }
0x28: {  	s2 =	sld [smem:$0x3FAD]  }
0x29: {  	s4 =	sld [smem:$0x3FAF]  }
0x2a: {  	p0 =	seq.s32 s5, $0x0;
	s5 =	sld [smem:$0x3FB0]  }
0x2b: {  	s6 =	sld [smem:$0x3FB1]  }
0x2c: {  	s7 =	sld [smem:$0x3FB2]  }
0x2d: {  	s3 =	simm.s32 $0x108;
	s8 =	sld [smem:$0x3FB3]  }
0x2e: {  	s3 =	simm.s32 @!p0 $0x1082;
	s9 =	sld [smem:$0x3FB4]  }
0x2f: {  	lr =	sadd.s32 s0, s3;
	s0 =	sld [smem:$0x3FAB]  }
0x30: {  	s3 =	sld [smem:$0x3FAE]  }
0x31: {  	[smem:$0x3FB7] =	sst s10  }
0x32: {  	s10 =	sld [smem:$0x3FB5];
	_ =	sdelay $0x3  }
0x33: {  	p0 =	seq.s32 s10, $0x1;
	s10 =	sld [smem:$0x3FB7];
	_ =	sdelay $0x3  }
0x34: {  	[smem:$0x3FB7] =	sst s10  }
0x35: {  	s10 =	sld [smem:$0x3FB6];
	_ =	sdelay $0x3  }
0x36: {  	p1 =	seq.s32 s10, $0x1;
	s10 =	sld [smem:$0x3FB7];
	_ =	sdelay $0x3  }
0x37: {  	[smem:$0x3FB7] =	sst s10  }
0x38: {  	s10 =	sld [smem:$0x3FB8]  }
0x39: {  	_ = 	snop;
	(pc) =	sbr.ind lr, $3  }
0x3a: {  	_ = 	snop  }
0x3b: {  	_ = 	snop  }
0x3c: {  	p2 =	seq.s32 s10, $0x1;
	s10 =	sld [smem:$0x3FB7]  }
0x3d: {  	_ =	shalt  }
0x3e: {  	_ =	shalt  }
0x3f: {  	_ =	shalt  }
0x40: {  	_ =	shalt  }
0x41: {  	_ =	shalt  }
0x42: {  	_ =	shalt  }
0x43: {  	_ =	shalt  }
0x44: {  	_ =	shalt  }
0x45: {  	_ =	shalt  }
0x46: {  	_ =	shalt  }
0x47: {  	_ =	shalt  }
0x48: {  	_ =	shalt  }
0x49: {  	_ =	shalt  }
0x4a: {  	_ =	shalt  }
0x4b: {  	_ =	shalt  }
0x4c: {  	_ =	shalt  }
0x4d: {  	_ =	shalt  }
0x4e: {  	_ =	shalt  }
0x4f: {  	_ =	shalt  }
0x50: {  	_ =	shalt  }
0x51: {  	_ =	shalt  }
0x52: {  	_ =	shalt  }
0x53: {  	_ =	shalt  }
0x54: {  	_ =	shalt  }
0x55: {  	_ =	shalt  }
0x56: {  	_ =	shalt  }
0x57: {  	_ =	shalt  }
0x58: {  	_ =	shalt  }
0x59: {  	_ =	shalt  }
0x5a: {  	_ =	shalt  }
0x5b: {  	_ =	shalt  }
0x5c: {  	_ =	shalt  }
0x5d: {  	_ =	shalt  }
0x5e: {  	_ =	shalt  }
0x5f: {  	_ =	shalt  }
0x60: {  	_ =	shalt  }
0x61: {  	_ =	shalt  }
0x62: {  	_ =	shalt  }
0x63: {  	_ =	shalt  }
0x64: {  	_ =	shalt  }
0x65: {  	_ =	shalt  }
0x66: {  	_ =	shalt  }
0x67: {  	_ =	shalt  }
0x68: {  	_ =	shalt  }
0x69: {  	_ =	shalt  }
0x6a: {  	_ =	shalt  }
0x6b: {  	_ =	shalt  }
0x6c: {  	_ =	shalt  }
0x6d: {  	_ =	shalt  }
0x6e: {  	_ =	shalt  }
0x6f: {  	_ =	shalt  }
0x70: {  	_ =	shalt  }
0x71: {  	_ =	shalt  }
0x72: {  	_ =	shalt  }
0x73: {  	_ =	shalt  }
0x74: {  	_ =	shalt  }
0x75: {  	_ =	shalt  }
0x76: {  	_ =	shalt  }
0x77: {  	_ =	shalt  }
0x78: {  	_ =	shalt  }
0x79: {  	_ =	shalt  }
0x7a: {  	_ =	shalt  }
0x7b: {  	_ =	shalt  }
0x7c: {  	_ =	shalt  }
0x7d: {  	_ =	shalt  }
0x7e: {  	_ =	shalt  }
0x7f: {  	_ =	shalt  }
0x80: {  	_ =	shalt  }
0x81: {  	_ =	shalt  }
0x82: {  	_ =	shalt  }
0x83: {  	_ =	shalt  }
0x84: {  	_ =	shalt  }
0x85: {  	_ =	shalt  }
0x86: {  	_ =	shalt  }
0x87: {  	_ =	shalt  }
.Lfunc_end0:
.L_simem_size_0:
called_computation_lowered:
.L_overlay_start_0:
0x88: {  	s2 =	sld [smem:$0x3FD9]  }
0x89: {  	s3 =	sld [smem:$0x3FFE];
	_ =	sdelay $0x1  }
0x8a: {  	s1 =	srdreg.scid  }
0x8b: {  	s0 =	sand.u32 $0x1, s1  }
0x8c: {  	s17 =	sshll.u32 s0, $0xA;
	s2 =	sadd.s32 s3, s2  }
0x8d: {  	s2 =	sadd.s32 s2, s17  }
0x8e: {  	[smem:$0x3FC3] =	sst s2  }
0x8f: {  	_ = 	snop  }
0x90: {  	s2 =	sld [smem:$0x3FD0];
	(tm) =	ssettm $0x1  }
0x91: {  	s18 =	sld [smem:$0x3FFB];
	_ =	sdelay $0x3  }
0x92: {  	_ =	strace s18  }
0x93: {  	s3 =	sld [smem:$0x3FFC];
	_ =	sdelay $0x3  }
0x94: {  	_ =	strace s3  }
0x95: {  	s3 =	sld [smem:$0x3FFD];
	_ =	sdelay $0x3  }
0x96: {  	_ =	strace s3  }
0x97: {  	_ =	strace $0x8FFFFFFF  }
0x98: {  	s19 =	sld [smem:$0x3FDB];
	_ =	sdelay $0x1  }
0x99: {  	s4 =	simm.s32 $_scs_section_size  }
0x9a: {  	s5 =	simm.s32 $_size__tile_overlayer_lowered;
	s6 =	simm.s32 $_tile_overlayer_lowered  }
0x9b: {  	s22 =	simm.s32 $0x1BFF;
	s21 =	sshll.u32 s6, $0x1;
	s3 =	sadd.s32 s4, s19  }
0x9c: {  	s7 =	simm.s32 $0x0;
	s20 =	sshll.u32 s5, $0x1;
	s5 =	sadd.s32 s21, s3  }
0x9d: {  	[timem:s7], [sflag:s22] =	dma.local [hbm:s5], s20  }
0x9e: {  	_ =	swait.ge [sflag:s22], s20  }
0x9f: {  	s4 =	ssub.s32 $0x0, s20;
	[sflag:s22] =	ssyncset.done $0x0  }
0xa0: {  	[sflag:s22] =	ssyncadd.s32 s4;
	_ =	sdelay $0x1  }
0xa1: {  	s23 =	simm.s32 $0x1B8B  }
0xa2: {  	_ =	swait.ge [sflag:s23], $0x1  }
0xa3: {  	[sflag:s23] =	ssyncset.done $0x0  }
0xa4: {  	s25 =	simm.s32 $0x1B8E;
	s24 =	sld [smem:$0x3FFE];
	[sflag:s23] =	ssyncadd.s32 $0xFFFFFFFF  }
0xa5: {  	s26 =	simm.s32 $execute0_lowered;
	[smem:$0x3FD2] =	sst s25  }
0xa6: {  	s5 =	sshll.u32 s26, $0x1;
	_ =	strace $0x80000046;
	[dreg:$0x1] =	wrdreg $0xFFFFFFFF  }
0xa7: {  	s28 =	simm.s32 $_size_execute0_lowered;
	s3 =	sadd.s32 s3, s5;
	[dreg:$0x0] =	wrdreg $0x0  }
0xa8: {  	s5 =	sshll.u32 s28, $0x1;
	[dreg:$0x2] =	wrdreg s3  }
0xa9: {  	[dreg:$0x3] =	wrdreg s5  }
0xaa: {  	[dreg:$0x4] =	wrdreg $0xC0  }
0xab: {  	_ =	task [dreg:s7], $0x5FFFF  }
0xac: {  	[dreg:$0x1] =	wrdreg $0xFFFFFFFF  }
0xad: {  	[dreg:$0x0] =	wrdreg $0x60  }
0xae: {  	[dreg:$0x2] =	wrdreg s24  }
0xaf: {  	[dreg:$0x3] =	wrdreg s2  }
0xb0: {  	[dreg:$0x4] =	wrdreg $0x1000  }
0xb1: {  	[dreg:$0x5] =	wrdreg $0x9  }
0xb2: {  	_ =	task.clear_ibuf [dreg:s7], $0x6FFFF;
	_ =	strace $0x90000046  }
0xb3: {  	s29 =	simm.s32 $0x9;
	_ =	strace $0x80000048  }
0xb4: {  	_ =	swait.ge [sflag:s29], $0x1  }
0xb5: {  	[sflag:s29] =	ssyncadd.s32 $0xFFFFFFFF  }
0xb6: {  	_ =	strace $0x90000048  }
0xb7: {  	_ =	sfence  }
0xb8: {  	s30 =	sld [smem:$0x0];
	_ =	sdelay $0x2  }
0xb9: {  	s31 =	sshll.u32 s1, $0xD;
	s1 =	sshrl.u32 s1, $0x2  }
0xba: {  	s3 =	sand.u32 $0x4000, s31;
	s1 =	sadd.s32 s1, s30  }
0xbb: {  	s0 =	sor.u32 s3, s0;
	s1 =	sshll.u32 s1, $0x11  }
0xbc: {  	s0 =	sor.u32 s1, s0  }
0xbd: {  	s0 =	sadd.s32 $0x8F2B, s0  }
0xbe: {  	[sflag:s0] =	ssyncadd.remote.s32 $0x1  }
0xbf: {  	_ =	sfence.sel $0xFFFF  }
0xc0: {  	[dreg:$0x0] =	wrdreg $0xFFFFFFFF;
	(pc) =	sbr.abs _section_cstart, $3  }
0xc1: {  	[dreg:$0x1] =	wrdreg $0xFFFFFFFF  }
0xc2: {  	_ =	task.clear_ibuf [dreg:s7], $0x2FFFF;
	_ =	strace $0x9FFFFFFF  }
0xc3: {  	(tm) =	ssettm $0x7FFFFFFF  }
tec
execute0_lowered:
.L_overlay_start_1:
0x0: {  	(tag) =	ssettag $0x1  }
0x1: {  	s5 =	rddreg [dreg:$0x0]  }
0x2: {  	s1 =	srdreg.scid;
	s8 =	rddreg [dreg:$0x1]  }
0x3: {  	s0 =	stileid.u32;
	s2 =	rddreg [dreg:$0x2];
	s3 =	simm.s32 $0x0  }
0x4: {  	s14 =	simm.s32 $0x0;
	s6 =	sand.u32 $0x1, s1;
	s1 =	rddreg [dreg:$0x3]  }
0x5: {  	s7 =	sshll.u32 s0, $0x7;
	[smem:$0x7FF] =	sst s3;
	s9 =	smul.u32 $0x280, s0  }
0x6: {  	s13 =	sshll.u32 s0, $0x6;
	s4 =	sshll.u32 s6, $0xB;
	_ =	strace $0x80000047  }
0x7: {  	s29 =	ssub.s32 $0x2, s6;
	s12 =	sshll.u32 s6, $0x4;
	s6 =	smul.u32 $0x2800, s6  }
0x8: {  	s4 =	sor.u32 s7, s4;
	s11 =	sshrl.u32 s29, $0x1;
	s30 =	sor.u32 s0, s12  }
0x9: {  	s31 =	sadd.s32 s9, s2;
	s7 =	sor.u32 $0x1C01, s13;
	s12 =	simm.s32 $0x1  }
0xa: {  	s13 =	simm.s32 $0x80;
	s4 =	sshrl.u32 s4, $0x3;
	s11 =	ssub.s32 s29, s11  }
0xb: {  	s9 =	sadd.s32 s9, s6;
	p0 =	slt.u32 s30, $0x4;
	s6 =	simm.s32 $0x4F  }
0xc: {  	s10 =	sadd.s32 s4, s5;
	s4 =	sadd.s32 $0x15C00, s5;
	s9 =	sshrl.u32 s9, $0x3  }
0xd: {  	s5 =	sadd.s32 $0x15E00, s5;
	s6 =	simm.s32 @!p0 $0x4E;
	s8 =	sadd.s32 s8, s9  }
0xe: {  	s9 =	smax.u32 s11, $0x1;
	s10 =	sadd.s32 $0x2000, s10;
	s11 =	sshrl.u32 s31, $0x3  }
.LBB2_1:
0xf: {  	[spmem:s11], [sflag:s7] =	dma.local [hbm:s5], $0x50  }
0x10: {  	_ =	swait.ge [sflag:s12], $0x50  }
0x11: {  	[sflag:s12] =	ssyncset.done $0x0  }
0x12: {  	[sflag:s12] =	ssyncadd.s32 $0xFFFFFFB0  }
0x13: {  	[tilespmem:s13], [sflag:$0x1] =	stream.linear.gather [hbm4b:s4+s3], $0x80, $0x38;
	[tilespmem:$0x380] =	vst v63  }
0x14: {  	_ =	swait.ge [sflag:s12], $0x80  }
0x15: {  	[sflag:s12] =	ssyncset.done $0x0  }
0x16: {  	[sflag:s12] =	ssyncadd.s32 $0xFFFFFF80  }
0x17: {  	[bflag:$0x0] =	sbarrier.arrive $0xFFFF  }
0x18: {  	[tilespmem:s3], [sflag:$0x1] =	stream.linear.gather [hbm4b:s10+s3], $0x80, $0x38;
	[tilespmem:$0x380] =	vst v63  }
0x19: {  	p0 =	sne.s32 s6, $0x1;
	_ =	swait.ge [sflag:s12], $0x80  }
.Ltmp0:
0x1a: {  	[sflag:s12] =	ssyncset.done $0x0;
	(pc) =	sbr.rel @!p0 .LBB2_3-.Ltmp0, $4  }
0x1b: {  	[sflag:s12] =	ssyncadd.s32 $0xFFFFFF80  }
0x1c: {  	[spmem:s2] =	stream.indirect.scatter.add.f32 [tilespmem:s13], [sflag:$0x1], $0x1, s3, s13, $0xb8;
	[tilespmem:$0x380] =	vst v63  }
0x1d: {  	_ =	swait.ge [sflag:s12], $0x80  }
0x1e: {  	s15 =	sadd.s32 $0xFFFFFFFF, s6;
	s16 =	smov.u32 s10;
	[sflag:s12] =	ssyncset.done $0x0  }
.LBB2_2:
0x1f: {  	p0 =	sne.s32 s15, $0x1;
	[sflag:s12] =	ssyncadd.s32 $0xFFFFFF80;
	s16 =	sadd.s32 $0x200, s16  }
0x20: {  	[tilespmem:s3], [sflag:$0x1] =	stream.linear.gather [hbm4b:s16+s3], $0x80, $0x38;
	[tilespmem:$0x380] =	vst v63  }
0x21: {  	s15 =	sadd.s32 $0xFFFFFFFF, s15;
	_ =	swait.ge [sflag:s12], $0x80  }
.Ltmp1:
0x22: {  	[sflag:s12] =	ssyncset.done $0x0;
	(pc) =	sbr.rel @p0 .LBB2_2-.Ltmp1, $4  }
0x23: {  	[sflag:s12] =	ssyncadd.s32 $0xFFFFFF80  }
0x24: {  	[spmem:s2] =	stream.indirect.scatter.add.f32 [tilespmem:s13], [sflag:$0x1], $0x1, s3, s13, $0xb8;
	[tilespmem:$0x380] =	vst v63  }
0x25: {  	_ =	swait.ge [sflag:s12], $0x80  }
0x26: {  	[sflag:s12] =	ssyncset.done $0x0  }
.LBB2_3:
0x27: {  	s14 =	sadd.s32 $0x1, s14  }
0x28: {  	[sflag:s12] =	ssyncadd.s32 $0xFFFFFF80;
	p0 =	sne.s32 s14, s9  }
.Ltmp2:
0x29: {  	[bflag:$0x0] =	sbarrier.arrive $0xFFFF;
	(pc) =	sbr.rel @p0 .LBB2_1-.Ltmp2, $4  }
0x2a: {  	[hbm:s8], [sflag:s7] =	dma.local [spmem:s11], $0x50  }
0x2b: {  	_ =	swait.ge [sflag:s12], $0x50  }
0x2c: {  	[sflag:s12] =	ssyncset.done $0x0  }
0x2d: {  	[sflag:s12] =	ssyncadd.s32 $0xFFFFFFB0  }
0x2e: {  	_ =	sfence.sel $0x180000  }
0x2f: {  	[bflag:$0x0] =	sbarrier.arrive $0xFFFF  }
0x30: {  	p0 =	sne.s32 s0, $0x0;
	_ =	strace $0x90000047  }
0x31: {  	s0 =	sadd.s32 @!p0 $0x100000, s1;
	[bflag:$0x2] =	sbarrier.arrive $0xFFFF  }
0x32: {  	[sflag:s0] =	ssyncadd.tile.s32 @!p0 $0x1;
	_ =	shalt  }
.Lfunc_end2:
_tile_overlayer_lowered:
.L_overlay_start_2:
0x33: {  	(tag) =	ssettag $0x2  }
0x34: {  	s0 =	rddreg [dreg:$0x0];
	s2 =	stileid.u32  }
0x35: {  	s1 =	rddreg [dreg:$0x1];
	p0 =	sne.s32 s2, $0x0  }
0x36: {  	s3 =	rddreg [dreg:$0x2];
	[bflag:$0x3] =	sbarrier.arrive $0xFFFF;
	s2 =	simm.s32 @!p0 $0x1C01  }
0x37: {  	[timem:s3], [sflag:s2] =	dma.local @!p0 [hbm:s0], s1  }
0x38: {  	s0 =	simm.s32 @!p0 $0x1  }
0x39: {  	_ =	swait.ge @!p0 [sflag:s0], s1  }
0x3a: {  	s1 =	ssub.s32 @!p0 $0x0, s1;
	[sflag:s0] =	ssyncset.done @!p0 $0x0  }
0x3b: {  	[sflag:s0] =	ssyncadd.s32 @!p0 s1  }
0x3c: {  	[bflag:$0x3] =	sbarrier.arrive $0xFFFF  }
0x3d: {  	_ =	shalt  }

// kernel: kernel.9.cloned.1.call-start
scs
__scs_entry_jumppad:
0x0: {  	(pc) =	sbr.rel $0x88, $3  }
0x1: {  	(tag) =	ssettag $0x0;
	lr =	simm.s32 $0x1  }
0x2: {  	[smem:$0x3F9C] =	sst lr;
	_ =	strace $0xD0000000  }
0x3: {  	_ = 	snop  }
0x4: {  	_ = 	snop  }
0x5: {  	_ = 	snop  }
0x6: {  	_ = 	snop  }
0x7: {  	_ = 	snop  }
__scs_overlays_trampoline_lowered:
0x8: {  	[smem:$0x3FAB] =	sst s0  }
0x9: {  	[smem:$0x3FAC] =	sst s1  }
0xa: {  	[smem:$0x3FAD] =	sst s2  }
0xb: {  	[smem:$0x3FAE] =	sst s3  }
0xc: {  	[smem:$0x3FAF] =	sst s4  }
0xd: {  	[smem:$0x3FB0] =	sst s5  }
0xe: {  	[smem:$0x3FB1] =	sst s6  }
0xf: {  	[smem:$0x3FB2] =	sst s7  }
0x10: {  	[smem:$0x3FB3] =	sst s8  }
0x11: {  	[smem:$0x3FB4] =	sst s9;
	s0 =	simm.s32 @!p0 $0x0  }
0x12: {  	s1 =	sld [smem:$0x3F9A];
	s0 =	simm.s32 @p0 $0x1  }
0x13: {  	[smem:$0x3FB5] =	sst s0;
	s0 =	simm.s32 @!p1 $0x0  }
0x14: {  	s2 =	sld [smem:$0x3F99];
	s0 =	simm.s32 @p1 $0x1  }
0x15: {  	[smem:$0x3FB6] =	sst s0;
	s0 =	simm.s32 @!p2 $0x0  }
0x16: {  	s3 =	sld [smem:$0x3FDB];
	s0 =	simm.s32 @p2 $0x1  }
0x17: {  	s4 =	simm.s32 $0x1BF5;
	[smem:$0x3FB8] =	sst s0  }
0x18: {  	s0 =	sld [smem:$0x3F9B];
	_ =	swait.ge [sflag:s4], $0x0  }
0x19: {  	s7 =	sld [smem:$0x3F9C]  }
0x1a: {  	s8 =	sadd.s32 $0xFFFFE003, lr  }
0x1b: {  	s9 =	sadd.s32 $0xFFFFFEF7, lr;
	s5 =	simm.s32 $0xFFFFFFFF;
	p2 =	slt.u32 s8, $0xFFFFF086  }
0x1c: {  	p1 =	slt.u32 s9, $0xF7A;
	s5 =	simm.s32 @!p2 $0x0  }
0x1d: {  	s5 =	simm.s32 @p1 $0x1;
	p0 =	seq.s32 s7, s2  }
0x1e: {  	s7 =	smul.u32 @!p0 $0xF7A, s2;
	p2 =	seq.s32 @!p0 s5, $0x0  }
0x1f: {  	s9 =	smul.u32 $0xF7A, s1;
	s8 =	simm.s32 @!p0 $0x1BF5;
	p2 =	por !p2, p0  }
0x20: {  	[sflag:s8] =	ssyncset.s32 @!p0 $0xFFFFF086;
	s6 =	sadd.s32 @!p0 s3, s7;
	s7 =	simm.s32 @!p0 $0x108  }
0x21: {  	s3 =	sadd.s32 s3, s9;
	s6 =	sadd.s32 @!p0 $0x88, s6;
	s7 =	simm.s32 @p2 $0x1082  }
0x22: {  	[simem:s7], [sflag:s8] =	dma.local @!p0 [hbm:s6], $0xF7A  }
0x23: {  	s9 =	sor.u32 $0xD0000000, s2;
	s6 =	simm.s32 $0x108;
	_ =	swait.ge @!p0 [sflag:s8], $0x0  }
0x24: {  	s3 =	sadd.s32 $0x88, s3;
	s6 =	simm.s32 @!p1 $0x1082;
	[sflag:s4] =	ssyncset.s32 $0xFFFFF086  }
0x25: {  	[simem:s6], [sflag:s4] =	dma.local [hbm:s3], $0xF7A  }
0x26: {  	[smem:$0x3F9C] =	sst s1;
	(tag) =	ssettag s2;
	_ =	strace s9  }
0x27: {  	s1 =	sld [smem:$0x3FAC]  }
0x28: {  	s2 =	sld [smem:$0x3FAD]  }
0x29: {  	s4 =	sld [smem:$0x3FAF]  }
0x2a: {  	p0 =	seq.s32 s5, $0x0;
	s5 =	sld [smem:$0x3FB0]  }
0x2b: {  	s6 =	sld [smem:$0x3FB1]  }
0x2c: {  	s7 =	sld [smem:$0x3FB2]  }
0x2d: {  	s3 =	simm.s32 $0x108;
	s8 =	sld [smem:$0x3FB3]  }
0x2e: {  	s3 =	simm.s32 @!p0 $0x1082;
	s9 =	sld [smem:$0x3FB4]  }
0x2f: {  	lr =	sadd.s32 s0, s3;
	s0 =	sld [smem:$0x3FAB]  }
0x30: {  	s3 =	sld [smem:$0x3FAE]  }
0x31: {  	[smem:$0x3FB7] =	sst s10  }
0x32: {  	s10 =	sld [smem:$0x3FB5];
	_ =	sdelay $0x3  }
0x33: {  	p0 =	seq.s32 s10, $0x1;
	s10 =	sld [smem:$0x3FB7];
	_ =	sdelay $0x3  }
0x34: {  	[smem:$0x3FB7] =	sst s10  }
0x35: {  	s10 =	sld [smem:$0x3FB6];
	_ =	sdelay $0x3  }
0x36: {  	p1 =	seq.s32 s10, $0x1;
	s10 =	sld [smem:$0x3FB7];
	_ =	sdelay $0x3  }
0x37: {  	[smem:$0x3FB7] =	sst s10  }
0x38: {  	s10 =	sld [smem:$0x3FB8]  }
0x39: {  	_ = 	snop;
	(pc) =	sbr.ind lr, $3  }
0x3a: {  	_ = 	snop  }
0x3b: {  	_ = 	snop  }
0x3c: {  	p2 =	seq.s32 s10, $0x1;
	s10 =	sld [smem:$0x3FB7]  }
0x3d: {  	_ =	shalt  }
0x3e: {  	_ =	shalt  }
0x3f: {  	_ =	shalt  }
0x40: {  	_ =	shalt  }
0x41: {  	_ =	shalt  }
0x42: {  	_ =	shalt  }
0x43: {  	_ =	shalt  }
0x44: {  	_ =	shalt  }
0x45: {  	_ =	shalt  }
0x46: {  	_ =	shalt  }
0x47: {  	_ =	shalt  }
0x48: {  	_ =	shalt  }
0x49: {  	_ =	shalt  }
0x4a: {  	_ =	shalt  }
0x4b: {  	_ =	shalt  }
0x4c: {  	_ =	shalt  }
0x4d: {  	_ =	shalt  }
0x4e: {  	_ =	shalt  }
0x4f: {  	_ =	shalt  }
0x50: {  	_ =	shalt  }
0x51: {  	_ =	shalt  }
0x52: {  	_ =	shalt  }
0x53: {  	_ =	shalt  }
0x54: {  	_ =	shalt  }
0x55: {  	_ =	shalt  }
0x56: {  	_ =	shalt  }
0x57: {  	_ =	shalt  }
0x58: {  	_ =	shalt  }
0x59: {  	_ =	shalt  }
0x5a: {  	_ =	shalt  }
0x5b: {  	_ =	shalt  }
0x5c: {  	_ =	shalt  }
0x5d: {  	_ =	shalt  }
0x5e: {  	_ =	shalt  }
0x5f: {  	_ =	shalt  }
0x60: {  	_ =	shalt  }
0x61: {  	_ =	shalt  }
0x62: {  	_ =	shalt  }
0x63: {  	_ =	shalt  }
0x64: {  	_ =	shalt  }
0x65: {  	_ =	shalt  }
0x66: {  	_ =	shalt  }
0x67: {  	_ =	shalt  }
0x68: {  	_ =	shalt  }
0x69: {  	_ =	shalt  }
0x6a: {  	_ =	shalt  }
0x6b: {  	_ =	shalt  }
0x6c: {  	_ =	shalt  }
0x6d: {  	_ =	shalt  }
0x6e: {  	_ =	shalt  }
0x6f: {  	_ =	shalt  }
0x70: {  	_ =	shalt  }
0x71: {  	_ =	shalt  }
0x72: {  	_ =	shalt  }
0x73: {  	_ =	shalt  }
0x74: {  	_ =	shalt  }
0x75: {  	_ =	shalt  }
0x76: {  	_ =	shalt  }
0x77: {  	_ =	shalt  }
0x78: {  	_ =	shalt  }
0x79: {  	_ =	shalt  }
0x7a: {  	_ =	shalt  }
0x7b: {  	_ =	shalt  }
0x7c: {  	_ =	shalt  }
0x7d: {  	_ =	shalt  }
0x7e: {  	_ =	shalt  }
0x7f: {  	_ =	shalt  }
0x80: {  	_ =	shalt  }
0x81: {  	_ =	shalt  }
0x82: {  	_ =	shalt  }
0x83: {  	_ =	shalt  }
0x84: {  	_ =	shalt  }
0x85: {  	_ =	shalt  }
0x86: {  	_ =	shalt  }
0x87: {  	_ =	shalt  }
.Lfunc_end0:
.L_simem_size_0:
called_computation.1_lowered:
.L_overlay_start_0:
0x88: {  	s2 =	sld [smem:$0x3FD9]  }
0x89: {  	s3 =	sld [smem:$0x3FFE];
	_ =	sdelay $0x1  }
0x8a: {  	s1 =	srdreg.scid  }
0x8b: {  	s0 =	sand.u32 $0x1, s1  }
0x8c: {  	s17 =	sshll.u32 s0, $0xA;
	s2 =	sadd.s32 s3, s2  }
0x8d: {  	s2 =	sadd.s32 s2, s17  }
0x8e: {  	[smem:$0x3FC3] =	sst s2  }
0x8f: {  	_ = 	snop  }
0x90: {  	s2 =	sld [smem:$0x3FD0];
	(tm) =	ssettm $0x1  }
0x91: {  	s18 =	sld [smem:$0x3FFB];
	_ =	sdelay $0x3  }
0x92: {  	_ =	strace s18  }
0x93: {  	s3 =	sld [smem:$0x3FFC];
	_ =	sdelay $0x3  }
0x94: {  	_ =	strace s3  }
0x95: {  	s3 =	sld [smem:$0x3FFD];
	_ =	sdelay $0x3  }
0x96: {  	_ =	strace s3  }
0x97: {  	_ =	strace $0x8FFFFFFF  }
0x98: {  	s19 =	sld [smem:$0x3FDB];
	_ =	sdelay $0x1  }
0x99: {  	s4 =	simm.s32 $_scs_section_size  }
0x9a: {  	s5 =	simm.s32 $_size__tile_overlayer_lowered;
	s6 =	simm.s32 $_tile_overlayer_lowered  }
0x9b: {  	s22 =	simm.s32 $0x1BFF;
	s21 =	sshll.u32 s6, $0x1;
	s3 =	sadd.s32 s4, s19  }
0x9c: {  	s7 =	simm.s32 $0x0;
	s20 =	sshll.u32 s5, $0x1;
	s5 =	sadd.s32 s21, s3  }
0x9d: {  	[timem:s7], [sflag:s22] =	dma.local [hbm:s5], s20  }
0x9e: {  	_ =	swait.ge [sflag:s22], s20  }
0x9f: {  	s4 =	ssub.s32 $0x0, s20;
	[sflag:s22] =	ssyncset.done $0x0  }
0xa0: {  	[sflag:s22] =	ssyncadd.s32 s4;
	_ =	sdelay $0x1  }
0xa1: {  	s23 =	simm.s32 $0x1B8B  }
0xa2: {  	_ =	swait.ge [sflag:s23], $0x1  }
0xa3: {  	[sflag:s23] =	ssyncset.done $0x0  }
0xa4: {  	s25 =	simm.s32 $0x1B8E;
	s24 =	sld [smem:$0x3FFE];
	[sflag:s23] =	ssyncadd.s32 $0xFFFFFFFF  }
0xa5: {  	s26 =	simm.s32 $execute0_lowered;
	[smem:$0x3FD2] =	sst s25  }
0xa6: {  	s5 =	sshll.u32 s26, $0x1;
	_ =	strace $0x80000049;
	[dreg:$0x1] =	wrdreg $0xFFFFFFFF  }
0xa7: {  	s28 =	simm.s32 $_size_execute0_lowered;
	s3 =	sadd.s32 s3, s5;
	[dreg:$0x0] =	wrdreg $0x0  }
0xa8: {  	s5 =	sshll.u32 s28, $0x1;
	[dreg:$0x2] =	wrdreg s3  }
0xa9: {  	[dreg:$0x3] =	wrdreg s5  }
0xaa: {  	[dreg:$0x4] =	wrdreg $0xC0  }
0xab: {  	_ =	task [dreg:s7], $0x5FFFF  }
0xac: {  	[dreg:$0x1] =	wrdreg $0xFFFFFFFF  }
0xad: {  	[dreg:$0x0] =	wrdreg $0x60  }
0xae: {  	[dreg:$0x2] =	wrdreg s24  }
0xaf: {  	[dreg:$0x3] =	wrdreg s2  }
0xb0: {  	[dreg:$0x4] =	wrdreg $0x41000  }
0xb1: {  	[dreg:$0x5] =	wrdreg $0x9  }
0xb2: {  	_ =	task.clear_ibuf [dreg:s7], $0x6FFFF;
	_ =	strace $0x90000049  }
0xb3: {  	s29 =	simm.s32 $0x9;
	_ =	strace $0x8000004B  }
0xb4: {  	_ =	swait.ge [sflag:s29], $0x1  }
0xb5: {  	[sflag:s29] =	ssyncadd.s32 $0xFFFFFFFF  }
0xb6: {  	_ =	strace $0x9000004B  }
0xb7: {  	_ =	sfence  }
0xb8: {  	s30 =	sld [smem:$0x0];
	_ =	sdelay $0x2  }
0xb9: {  	s31 =	sshll.u32 s1, $0xD;
	s1 =	sshrl.u32 s1, $0x2  }
0xba: {  	s3 =	sand.u32 $0x4000, s31;
	s1 =	sadd.s32 s1, s30  }
0xbb: {  	s0 =	sor.u32 s3, s0;
	s1 =	sshll.u32 s1, $0x11  }
0xbc: {  	s0 =	sor.u32 s1, s0  }
0xbd: {  	s0 =	sadd.s32 $0x8F2B, s0  }
0xbe: {  	[sflag:s0] =	ssyncadd.remote.s32 $0x1  }
0xbf: {  	_ =	sfence.sel $0xFFFF  }
0xc0: {  	[dreg:$0x0] =	wrdreg $0xFFFFFFFF;
	(pc) =	sbr.abs _section_cstart, $3  }
0xc1: {  	[dreg:$0x1] =	wrdreg $0xFFFFFFFF  }
0xc2: {  	_ =	task.clear_ibuf [dreg:s7], $0x2FFFF;
	_ =	strace $0x9FFFFFFF  }
0xc3: {  	(tm) =	ssettm $0x7FFFFFFF  }
tec
execute0_lowered:
.L_overlay_start_1:
0x0: {  	(tag) =	ssettag $0x1  }
0x1: {  	s7 =	rddreg [dreg:$0x0]  }
0x2: {  	s2 =	rddreg [dreg:$0x1]  }
0x3: {  	s3 =	rddreg [dreg:$0x2]  }
0x4: {  	s0 =	rddreg [dreg:$0x3];
	s4 =	simm.s32 $0x0  }
0x5: {  	s1 =	stileid.u32;
	s5 =	srdreg.scid;
	s15 =	simm.s32 $0x80  }
0x6: {  	s16 =	simm.s32 $0x100;
	s17 =	simm.s32 $0x1;
	s18 =	simm.s32 $0x0  }
0x7: {  	[smem:$0x7FF] =	sst s4;
	s9 =	sand.u32 $0x1, s5;
	s8 =	smul.u32 $0x2800, s1  }
0x8: {  	s26 =	sshll.u32 s1, $0x4;
	s5 =	sadd.s32 $0x15C00, s7;
	s11 =	smul.u32 $0x50000, s1  }
0x9: {  	s6 =	sadd.s32 $0x3CE00, s7;
	s31 =	sshll.u32 s1, $0x6;
	p0 =	slt.u32 s1, $0x4  }
0xa: {  	_ =	strace $0x8000004A;
	s10 =	smul.u32 $0x28000, s9;
	s28 =	ssub.s32 $0x2, s9  }
0xb: {  	s12 =	sadd.s32 s26, s7;
	s29 =	sshrl.u32 s28, $0x1;
	s30 =	sshrl.u32 s11, $0x2  }
.Ltmp0:
0xc: {  	s11 =	sadd.s32 $0x2000, s12;
	s12 =	sadd.s32 $0xBE00, s12;
	(pc) =	sbr.rel .LBB2_1-.Ltmp0, $4  }
0xd: {  	s8 =	sadd.s32 s8, s10;
	s10 =	ssub.s32 s28, s29;
	s14 =	sadd.s32 s30, s3  }
0xe: {  	s13 =	sadd.s32 s8, s7;
	s7 =	sor.u32 $0x1C02, s31;
	s8 =	simm.s32 $0x9D  }
0xf: {  	s10 =	smax.u32 s10, $0x1;
	s8 =	simm.s32 @!p0 $0x9C;
	p0 =	seq.s32 s9, $0x1  }
0x10: {  	s9 =	sadd.s32 $0x3F600, s13;
	s13 =	sshrl.u32 s14, $0x3;
	s14 =	simm.s32 $0x2  }
.LBB2_4:
0x11: {  	[sflag:s14] =	ssyncadd.s32 $0xFFFFC000  }
.LBB2_8:
0x12: {  	s18 =	sadd.s32 $0x1, s18  }
0x13: {  	p1 =	sne.s32 s18, s10  }
.Ltmp1:
0x14: {  	[bflag:$0x0] =	sbarrier.arrive $0xFFFF;
	(pc) =	sbr.rel @!p1 .LBB2_9-.Ltmp1, $4  }
0x15: {  	[hbm:s9], [sflag:s7] =	dma.local [spmem:s13], $0x2800  }
0x16: {  	_ =	swait.ge [sflag:s14], $0x2800  }
0x17: {  	[sflag:s14] =	ssyncset.done $0x0  }
0x18: {  	[sflag:s14] =	ssyncadd.s32 $0xFFFFD800  }
.LBB2_1:
0x19: {  	[spmem:s13], [sflag:s7] =	dma.local [hbm:s6], $0x2800  }
.Ltmp2:
0x1a: {  	_ =	swait.ge [sflag:s14], $0x2800;
	(pc) =	sbr.rel @!p0 .LBB2_2-.Ltmp2, $3  }
0x1b: {  	[sflag:s14] =	ssyncset.done $0x0  }
0x1c: {  	[sflag:s14] =	ssyncadd.s32 $0xFFFFD800  }
0x1d: {  	[bflag:$0x0] =	sbarrier.arrive $0xFFFF;
	_ =	sdelay $0x1  }
0x1e: {  	[tilespmem:s4], [sflag:$0x2] =	stream.linear.gather [hbm4b:s12+s4], $0x80, $0x38;
	[tilespmem:$0x18100] =	vst v63  }
0x1f: {  	_ =	swait.ge [sflag:s14], $0x80  }
0x20: {  	[sflag:s14] =	ssyncset.done $0x0  }
0x21: {  	[sflag:s14] =	ssyncadd.s32 $0xFFFFFF80  }
0x22: {  	[tilespmem:s15], [sflag:$0x2] =	stream.linear.gather [hbm4b:s11+s4], $0x80, $0x38;
	[tilespmem:$0x18100] =	vst v63  }
0x23: {  	_ =	swait.ge [sflag:s14], $0x80  }
0x24: {  	[sflag:s14] =	ssyncset.done $0x0  }
0x25: {  	[sflag:s14] =	ssyncadd.s32 $0xFFFFFF80  }
0x26: {  	[tilespmem:s16], [sflag:$0x1] =	stream.indirect.gather [hbm4b:s5+s15], $0x80, s4, s15, $0xb8;
	[tilespmem:$0x18100] =	vst v63  }
0x27: {  	p1 =	sne.s32 s8, $0x1;
	_ =	swait.ge [sflag:s17], $0x4000  }
.Ltmp3:
0x28: {  	[sflag:s17] =	ssyncset.done $0x0;
	(pc) =	sbr.rel @!p1 .LBB2_7-.Ltmp3, $4  }
0x29: {  	[sflag:s17] =	ssyncadd.s32 $0xFFFFC000  }
0x2a: {  	[spmem:s3] =	stream.indirect.scatter.add.f32 [tilespmem:s16], [sflag:$0x2], $0x80, s15, s15, $0xb8;
	[tilespmem:$0x18100] =	vst v63  }
0x2b: {  	s19 =	sadd.s32 $0xFFFFFFFF, s8;
	_ =	swait.ge [sflag:s14], $0x4000  }
0x2c: {  	s20 =	smov.u32 s11;
	s21 =	smov.u32 s12;
	[sflag:s14] =	ssyncset.done $0x0  }
.LBB2_6:
0x2d: {  	[sflag:s14] =	ssyncadd.s32 $0xFFFFC000;
	s20 =	sadd.s32 $0x100, s20;
	s21 =	sadd.s32 $0x100, s21  }
0x2e: {  	[tilespmem:s4], [sflag:$0x2] =	stream.linear.gather [hbm4b:s21+s4], $0x80, $0x38;
	[tilespmem:$0x18100] =	vst v63  }
0x2f: {  	p1 =	sne.s32 s19, $0x1;
	s19 =	sadd.s32 $0xFFFFFFFF, s19;
	_ =	swait.ge [sflag:s14], $0x80  }
0x30: {  	[sflag:s14] =	ssyncset.done $0x0  }
0x31: {  	[sflag:s14] =	ssyncadd.s32 $0xFFFFFF80  }
0x32: {  	[tilespmem:s15], [sflag:$0x2] =	stream.linear.gather [hbm4b:s20+s4], $0x80, $0x38;
	[tilespmem:$0x18100] =	vst v63  }
0x33: {  	_ =	swait.ge [sflag:s14], $0x80  }
0x34: {  	[sflag:s14] =	ssyncset.done $0x0  }
0x35: {  	[sflag:s14] =	ssyncadd.s32 $0xFFFFFF80  }
0x36: {  	[tilespmem:s16], [sflag:$0x1] =	stream.indirect.gather [hbm4b:s5+s15], $0x80, s4, s15, $0xb8;
	[tilespmem:$0x18100] =	vst v63  }
0x37: {  	_ =	swait.ge [sflag:s17], $0x4000  }
.Ltmp4:
0x38: {  	[sflag:s17] =	ssyncset.done $0x0;
	(pc) =	sbr.rel @p1 .LBB2_6-.Ltmp4, $4  }
0x39: {  	[sflag:s17] =	ssyncadd.s32 $0xFFFFC000  }
0x3a: {  	[spmem:s3] =	stream.indirect.scatter.add.f32 [tilespmem:s16], [sflag:$0x2], $0x80, s15, s15, $0xb8;
	[tilespmem:$0x18100] =	vst v63  }
0x3b: {  	_ =	swait.ge [sflag:s14], $0x4000  }
0x3c: {  	[sflag:s14] =	ssyncset.done $0x0  }
.LBB2_7:
.Ltmp5:
0x3d: {  	(pc) =	sbr.rel .LBB2_8-.Ltmp5, $2  }
0x3e: {  	_ =	sdelay $0x2  }
0x3f: {  	[sflag:s14] =	ssyncadd.s32 $0xFFFFC000  }
.LBB2_2:
0x40: {  	[tilespmem:s4], [sflag:$0x2] =	stream.linear.gather [hbm4b:s12+s4], $0x80, $0x38;
	[tilespmem:$0x18100] =	vst v63  }
0x41: {  	_ =	swait.ge [sflag:s14], $0x80  }
0x42: {  	[sflag:s14] =	ssyncset.done $0x0  }
0x43: {  	[sflag:s14] =	ssyncadd.s32 $0xFFFFFF80  }
0x44: {  	[tilespmem:s15], [sflag:$0x2] =	stream.linear.gather [hbm4b:s11+s4], $0x80, $0x38;
	[tilespmem:$0x18100] =	vst v63  }
0x45: {  	_ =	swait.ge [sflag:s14], $0x80  }
0x46: {  	[sflag:s14] =	ssyncset.done $0x0  }
0x47: {  	[sflag:s14] =	ssyncadd.s32 $0xFFFFFF80  }
0x48: {  	[tilespmem:s16], [sflag:$0x1] =	stream.indirect.gather [hbm4b:s2+s15], $0x80, s4, s15, $0xb8;
	[tilespmem:$0x18100] =	vst v63  }
0x49: {  	p1 =	seq.s32 s8, $0x1;
	_ =	swait.ge [sflag:s17], $0x4000  }
.Ltmp6:
0x4a: {  	[sflag:s17] =	ssyncset.done $0x0;
	(pc) =	sbr.rel @p1 .LBB2_4-.Ltmp6, $4  }
0x4b: {  	[sflag:s17] =	ssyncadd.s32 $0xFFFFC000  }
0x4c: {  	[spmem:s3] =	stream.indirect.scatter.add.f32 [tilespmem:s16], [sflag:$0x2], $0x80, s15, s15, $0xb8;
	[tilespmem:$0x18100] =	vst v63  }
0x4d: {  	s19 =	sadd.s32 $0xFFFFFFFF, s8;
	_ =	swait.ge [sflag:s14], $0x4000  }
0x4e: {  	s20 =	smov.u32 s11;
	s21 =	smov.u32 s12;
	[sflag:s14] =	ssyncset.done $0x0  }
.LBB2_3:
0x4f: {  	[sflag:s14] =	ssyncadd.s32 $0xFFFFC000;
	s20 =	sadd.s32 $0x100, s20;
	s21 =	sadd.s32 $0x100, s21  }
0x50: {  	[tilespmem:s4], [sflag:$0x2] =	stream.linear.gather [hbm4b:s21+s4], $0x80, $0x38;
	[tilespmem:$0x18100] =	vst v63  }
0x51: {  	p1 =	seq.s32 s19, $0x1;
	s19 =	sadd.s32 $0xFFFFFFFF, s19;
	_ =	swait.ge [sflag:s14], $0x80  }
0x52: {  	[sflag:s14] =	ssyncset.done $0x0  }
0x53: {  	[sflag:s14] =	ssyncadd.s32 $0xFFFFFF80  }
0x54: {  	[tilespmem:s15], [sflag:$0x2] =	stream.linear.gather [hbm4b:s20+s4], $0x80, $0x38;
	[tilespmem:$0x18100] =	vst v63  }
0x55: {  	_ =	swait.ge [sflag:s14], $0x80  }
0x56: {  	[sflag:s14] =	ssyncset.done $0x0  }
0x57: {  	[sflag:s14] =	ssyncadd.s32 $0xFFFFFF80  }
0x58: {  	[tilespmem:s16], [sflag:$0x1] =	stream.indirect.gather [hbm4b:s2+s15], $0x80, s4, s15, $0xb8;
	[tilespmem:$0x18100] =	vst v63  }
0x59: {  	_ =	swait.ge [sflag:s17], $0x4000  }
.Ltmp7:
0x5a: {  	[sflag:s17] =	ssyncset.done $0x0;
	(pc) =	sbr.rel @!p1 .LBB2_3-.Ltmp7, $4  }
0x5b: {  	[sflag:s17] =	ssyncadd.s32 $0xFFFFC000  }
0x5c: {  	[spmem:s3] =	stream.indirect.scatter.add.f32 [tilespmem:s16], [sflag:$0x2], $0x80, s15, s15, $0xb8;
	[tilespmem:$0x18100] =	vst v63  }
0x5d: {  	_ =	swait.ge [sflag:s14], $0x4000  }
0x5e: {  	[sflag:s14] =	ssyncset.done $0x0  }
.Ltmp8:
0x5f: {  	_ = 	snop;
	(pc) =	sbr.rel .LBB2_4-.Ltmp8, $1  }
0x60: {  	_ =	sdelay $0x3  }
.LBB2_9:
0x61: {  	_ =	sfence.sel $0x180000  }
0x62: {  	[bflag:$0x0] =	sbarrier.arrive $0xFFFF  }
0x63: {  	p0 =	sne.s32 s1, $0x0;
	_ =	strace $0x9000004A  }
0x64: {  	s0 =	sadd.s32 @!p0 $0x100000, s0;
	[bflag:$0x2] =	sbarrier.arrive $0xFFFF  }
0x65: {  	[sflag:s0] =	ssyncadd.tile.s32 @!p0 $0x1;
	_ =	shalt  }
.Lfunc_end2:
_tile_overlayer_lowered:
.L_overlay_start_2:
0x66: {  	(tag) =	ssettag $0x2  }
0x67: {  	s0 =	rddreg [dreg:$0x0];
	s2 =	stileid.u32  }
0x68: {  	s1 =	rddreg [dreg:$0x1];
	p0 =	sne.s32 s2, $0x0  }
0x69: {  	s3 =	rddreg [dreg:$0x2];
	[bflag:$0x3] =	sbarrier.arrive $0xFFFF;
	s2 =	simm.s32 @!p0 $0x1C02  }
0x6a: {  	[timem:s3], [sflag:s2] =	dma.local @!p0 [hbm:s0], s1  }
0x6b: {  	s0 =	simm.s32 @!p0 $0x2  }
0x6c: {  	_ =	swait.ge @!p0 [sflag:s0], s1  }
0x6d: {  	s1 =	ssub.s32 @!p0 $0x0, s1;
	[sflag:s0] =	ssyncset.done @!p0 $0x0  }
0x6e: {  	[sflag:s0] =	ssyncadd.s32 @!p0 s1  }
0x6f: {  	[bflag:$0x3] =	sbarrier.arrive $0xFFFF  }
0x70: {  	_ =	shalt  }

</sc_bundles>
